<compile_context>
chip_gen: v7x
topology: tpu7x:2x2x1
jax: 0.10.2.dev20260603
libtpu: 0.0.44.dev20260713+nightly
codegen_flags: <defaults>
</compile_context>

<pallas_src>
import jax
import jax.numpy as jnp
from jax import lax
from jax.experimental import pallas as pl
from jax.experimental.pallas import tpu as pltpu
from jax.experimental.pallas import tpu_sc as plsc

N_NODES = 100000
N_FEATS = 9
VOCAB = 100
HIDDEN = 512

NC = 2
NS = 16
NW = NC * NS
N_HSPLIT = 8
N_GSPLIT = NW // N_HSPLIT
HSLICE = HIDDEN // N_HSPLIT
NQ = HSLICE // 32
ROWS = N_FEATS * VOCAB
G_NODES = N_NODES // N_GSPLIT
CHUNK = 200
N_CHUNKS = G_NODES // CHUNK
IDXPAD = 208
UNROLL = 4


def _sc_body(idx_hbm, tab_hbm, out_hbm, idx_v, acc_v, stage_v,
             isem, gsem, osem):
    c = lax.axis_index("c")
    s = lax.axis_index("s")
    wid = s * NC + c
    hid = wid % N_HSPLIT
    ng = wid // N_HSPLIT
    hbase = hid * ROWS

    zero32 = jnp.zeros((32,), jnp.bfloat16)

    def zero_body(i, _):
        for l in range(UNROLL):
            n = i * UNROLL + l
            for bb in range(2):
                for q in range(NQ):
                    acc_v[bb, n, pl.ds(q * 32, 32)] = zero32
        return 0
    lax.fori_loop(0, CHUNK // UNROLL, zero_body, 0)

    def out_slab(k):
        gbase = ng * G_NODES + k * CHUNK
        return out_hbm.at[pl.ds(gbase, CHUNK), pl.ds(hid * HSLICE, HSLICE)]

    def idx_fetch(k, b):
        gbase = ng * G_NODES + k * CHUNK
        pltpu.async_copy(
            idx_hbm.at[:, pl.ds(gbase, CHUNK)],
            idx_v.at[b, :, pl.ds(0, CHUNK)], isem.at[b])

    def idx_wait(k, b):
        gbase = ng * G_NODES + k * CHUNK
        pltpu.make_async_copy(
            idx_hbm.at[:, pl.ds(gbase, CHUNK)],
            idx_v.at[b, :, pl.ds(0, CHUNK)], isem.at[b]).wait()

    def adjust(b):
        def blk(i, _):
            for f in range(N_FEATS):
                v = idx_v[b, f, pl.ds(i * 16, 16)]
                idx_v[b, f, pl.ds(i * 16, 16)] = v + hbase
            return 0
        lax.fori_loop(0, IDXPAD // 16, blk, 0)

    def gathers_start(b):
        for f in range(N_FEATS):
            pltpu.async_copy(
                tab_hbm.at[idx_v.at[b, f, pl.ds(0, CHUNK)]], acc_v.at[b],
                gsem.at[b], add=True)

    def gathers_wait(b):
        for f in range(N_FEATS):
            pltpu.make_async_copy(
                tab_hbm.at[idx_v.at[b, f, pl.ds(0, CHUNK)]], acc_v.at[b],
                gsem.at[b]).wait()

    def unpack_chunk(b):
        def blk(i, _):
            for l in range(UNROLL):
                n = i * UNROLL + l
                for q in range(NQ):
                    g = acc_v[b, n, pl.ds(q * 32, 32)]
                    lo, hi = plsc.unpack(
                        g, format=plsc.PackFormat.INTERLEAVED,
                        preferred_element_type=jnp.float32)
                    stage_v[b, n, pl.ds(q * 32, 16)] = lo
                    stage_v[b, n, pl.ds(q * 32 + 16, 16)] = hi
                    acc_v[b, n, pl.ds(q * 32, 32)] = zero32
            return 0
        lax.fori_loop(0, CHUNK // UNROLL, blk, 0)

    idx_fetch(0, 0)
    idx_wait(0, 0)
    adjust(0)
    gathers_start(0)
    idx_fetch(1, 1)

    def chunk_body(k, _):
        b = lax.rem(k, 2)

        @pl.when(k < N_CHUNKS - 1)
        def _():
            idx_wait(k + 1, 1 - b)
            adjust(1 - b)
            gathers_start(1 - b)

        gathers_wait(b)

        @pl.when(k < N_CHUNKS - 2)
        def _():
            idx_fetch(k + 2, b)

        @pl.when(k >= 2)
        def _():
            pltpu.make_async_copy(
                stage_v.at[b], out_slab(k - 2), osem.at[b]).wait()

        unpack_chunk(b)
        pltpu.async_copy(stage_v.at[b], out_slab(k), osem.at[b])
        return 0

    lax.fori_loop(0, N_CHUNKS, chunk_body, 0)
    for kk in (N_CHUNKS - 2, N_CHUNKS - 1):
        pltpu.make_async_copy(
            stage_v.at[kk % 2], out_slab(kk), osem.at[kk % 2]).wait()


@jax.jit
def kernel(x, tables):
    offs = (jnp.arange(N_FEATS, dtype=jnp.int32) * VOCAB)[None, :]
    idx_t = (x.astype(jnp.int32) + offs).T

    tb = tables.reshape(ROWS, HIDDEN).astype(jnp.bfloat16)
    tb = tb.reshape(ROWS, N_HSPLIT, NQ, 2, 16).transpose(1, 0, 2, 4, 3)
    tb_rows = tb.reshape(N_HSPLIT * ROWS, HSLICE)

    mesh = plsc.VectorSubcoreMesh(
        core_axis_name="c", subcore_axis_name="s",
        num_cores=NC, num_subcores=NS)
    f = pl.kernel(
        _sc_body,
        out_type=jax.ShapeDtypeStruct((N_NODES, HIDDEN), jnp.float32),
        mesh=mesh,
        scratch_types=[
            pltpu.VMEM((2, N_FEATS, IDXPAD), jnp.int32),
            pltpu.VMEM((2, CHUNK, HSLICE), jnp.bfloat16),
            pltpu.VMEM((2, CHUNK, HSLICE), jnp.float32),
            pltpu.SemaphoreType.DMA((2,)),
            pltpu.SemaphoreType.DMA((2,)),
            pltpu.SemaphoreType.DMA((2,)),
        ],
        compiler_params=pltpu.CompilerParams(
            use_tc_tiling_on_sc=False, needs_layout_passes=False),
    )
    return f(idx_t, tb_rows)

# --- scband reference (transcript-rebuilt; emitter-appended) ---
"""Pipeline reference for scband-node-encoder-5720896438294 (READ-ONLY COPY).

The authoritative reference and input builder live on the scoring server;
editing this copy changes nothing except your own understanding.
"""

import jax, jax.numpy as jnp
import numpy as np

N_NODES = 100000
N_FEATS = 9
VOCAB = 100
HIDDEN = 512

def setup_inputs(seed: int = 0) -> dict:
    key = jax.random.key(seed)
    k1, k2 = jax.random.split(key)
    x = jax.random.randint(k1, (N_NODES, N_FEATS), 0, VOCAB, dtype=jnp.int32)
    # 9 embedding tables, each [100, hiddenChannels], stacked into one array
    tables = jax.random.normal(k2, (N_FEATS, VOCAB, HIDDEN), dtype=jnp.float32)
    return {"x": x, "tables": tables}

def reference(x, tables):
    if x.ndim == 1:
        x = x[:, None]
    out = jnp.zeros((x.shape[0], tables.shape[-1]), dtype=tables.dtype)
    for i in range(x.shape[1]):
        out = out + jnp.take(tables[i], x[:, i], axis=0)
    return out

if __name__ == "__main__":
    import jax
    _d = setup_inputs()
    print(jax.jit(kernel)(*tuple(_d.values())))

</pallas_src>

<mosaic_0001>
#map = affine_map<(d0, d1) -> (0, 0)>
module attributes {stable_mosaic.version = 14 : i64} {
  func.func @_sc_body(%arg0: i32, %arg1: i32, %arg2: memref<9x100000xi32, #tpu.memory_space<hbm>>, %arg3: memref<7200x64xbf16, #tpu.memory_space<hbm>>, %arg4: memref<100000x512xf32, #tpu.memory_space<hbm>>, %arg5: memref<2x9x208xi32, #tpu.memory_space<vmem>>, %arg6: memref<2x200x64xbf16, #tpu.memory_space<vmem>>, %arg7: memref<2x200x64xf32, #tpu.memory_space<vmem>>, %arg8: memref<2x!tpu.dma_semaphore, #tpu.memory_space<semaphore_mem>>, %arg9: memref<2x!tpu.dma_semaphore, #tpu.memory_space<semaphore_mem>>, %arg10: memref<2x!tpu.dma_semaphore, #tpu.memory_space<semaphore_mem>>) attributes {dimension_semantics = [#tpu.dimension_semantics<core_parallel>, #tpu.dimension_semantics<subcore_parallel>], iteration_bounds = array<i64: 2, 16>, scalar_prefetch = 0 : i64, scratch_operands = 6 : i64, tpu.core_type = #tpu.core_type<sc_vector_subcore>, window_params = [{transform_indices = #map}, {transform_indices = #map}, {transform_indices = #map}]} {
    %mul3A = arith.constant 2 : i32
    %mul3A_0 = arith.muli %arg1, %mul3A : i32
    %add3A = arith.addi %mul3A_0, %arg0 : i32
    %jit3A = arith.constant 8 : i32
    %eq3A = arith.constant 0 : i32
    %eq3A_1 = arith.cmpi eq, %jit3A, %eq3A : i32
    %jit3A_2 = arith.constant 1 : i32
    %select_n3A = arith.select %eq3A_1, %jit3A_2, %jit3A : i32
    %rem3A = arith.remsi %add3A, %select_n3A : i32
    %ne3A = arith.constant 0 : i32
    %ne3A_3 = arith.cmpi ne, %rem3A, %ne3A : i32
    %lt3A = arith.constant 0 : i32
    %lt3A_4 = arith.cmpi slt, %rem3A, %lt3A : i32
    %lt3A_5 = arith.constant 0 : i32
    %lt3A_6 = arith.cmpi slt, %select_n3A, %lt3A_5 : i32
    %ne3A_7 = arith.xori %lt3A_4, %lt3A_6 : i1
    %and3A = arith.andi %ne3A_7, %ne3A_3 : i1
    %add3A_8 = arith.addi %rem3A, %select_n3A : i32
    %select_n3A_9 = arith.select %and3A, %add3A_8, %rem3A : i32
    %jit3A_10 = arith.constant 8 : i32
    %div3A = arith.divsi %add3A, %jit3A_10 : i32
    %sign3A = arith.constant 0 : i32
    %sign3A_11 = arith.cmpi sgt, %add3A, %sign3A : i32
    %sign3A_12 = arith.extui %sign3A_11 : i1 to i32
    %sign3A_13 = arith.constant 0 : i32
    %sign3A_14 = arith.cmpi slt, %add3A, %sign3A_13 : i32
    %sign3A_15 = arith.extui %sign3A_14 : i1 to i32
    %sign3A_16 = arith.subi %sign3A_12, %sign3A_15 : i32
    %sign3A_17 = arith.constant 0 : i32
    %sign3A_18 = arith.cmpi sgt, %jit3A_10, %sign3A_17 : i32
    %sign3A_19 = arith.extui %sign3A_18 : i1 to i32
    %sign3A_20 = arith.constant 0 : i32
    %sign3A_21 = arith.cmpi slt, %jit3A_10, %sign3A_20 : i32
    %sign3A_22 = arith.extui %sign3A_21 : i1 to i32
    %sign3A_23 = arith.subi %sign3A_19, %sign3A_22 : i32
    %ne3A_24 = arith.cmpi ne, %sign3A_16, %sign3A_23 : i32
    %rem3A_25 = arith.remsi %add3A, %jit3A_10 : i32
    %ne3A_26 = arith.constant 0 : i32
    %ne3A_27 = arith.cmpi ne, %rem3A_25, %ne3A_26 : i32
    %and3A_28 = arith.andi %ne3A_24, %ne3A_27 : i1
    %sub3A = arith.constant 1 : i32
    %sub3A_29 = arith.subi %div3A, %sub3A : i32
    %select_n3A_30 = arith.select %and3A_28, %sub3A_29, %div3A : i32
    %mul3A_31 = arith.constant 900 : i32
    %mul3A_32 = arith.muli %select_n3A_9, %mul3A_31 : i32
    %broadcast_in_dim3A = arith.constant 0.000000e+00 : bf16
    %broadcast_in_dim3A_33 = vector.broadcast %broadcast_in_dim3A : bf16 to vector<32xbf16>
    %scan3A = arith.constant 0 : i32
    %scan3A_34 = arith.constant 0 : i32
    %scan3A_35 = arith.constant 50 : i32
    %scan3A_36 = arith.addi %scan3A_34, %scan3A_35 : i32
    %scan3A_37 = arith.constant 1 : i32
    %scan3A_38 = scf.for %scan3A_296 = %scan3A_34 to %scan3A_36 step %scan3A_37 iter_args(%scan3A_297 = %scan3A) -> (i32)  : i32 {
      %mul3A_298 = arith.constant 4 : i32
      %mul3A_299 = arith.muli %scan3A_296, %mul3A_298 : i32
      %add3A_300 = arith.constant 0 : i32
      %add3A_301 = arith.addi %mul3A_299, %add3A_300 : i32
      %swap3A = arith.constant 0 : i32
      %swap3A_302 = arith.index_cast %swap3A : i32 to index
      %swap3A_303 = arith.index_cast %add3A_301 : i32 to index
      %swap3A_304 = arith.constant 0 : index
      %swap3A_305 = tpu.vector_load %arg6[%swap3A_302, %swap3A_303, %swap3A_304] {strides = array<i32>} : memref<2x200x64xbf16, #tpu.memory_space<vmem>>, vector<32xbf16>,
      tpu.vector_store %arg6[%swap3A_302, %swap3A_303, %swap3A_304], %broadcast_in_dim3A_33 {strides = array<i32>} : memref<2x200x64xbf16, #tpu.memory_space<vmem>>, vector<32xbf16>,
      %swap3A_306 = arith.constant 0 : i32
      %swap3A_307 = arith.index_cast %swap3A_306 : i32 to index
      %swap3A_308 = arith.index_cast %add3A_301 : i32 to index
      %swap3A_309 = arith.constant 32 : index
      %swap3A_310 = tpu.vector_load %arg6[%swap3A_307, %swap3A_308, %swap3A_309] {strides = array<i32>} : memref<2x200x64xbf16, #tpu.memory_space<vmem>>, vector<32xbf16>,
      tpu.vector_store %arg6[%swap3A_307, %swap3A_308, %swap3A_309], %broadcast_in_dim3A_33 {strides = array<i32>} : memref<2x200x64xbf16, #tpu.memory_space<vmem>>, vector<32xbf16>,
      %swap3A_311 = arith.constant 1 : i32
      %swap3A_312 = arith.index_cast %swap3A_311 : i32 to index
      %swap3A_313 = arith.index_cast %add3A_301 : i32 to index
      %swap3A_314 = arith.constant 0 : index
      %swap3A_315 = tpu.vector_load %arg6[%swap3A_312, %swap3A_313, %swap3A_314] {strides = array<i32>} : memref<2x200x64xbf16, #tpu.memory_space<vmem>>, vector<32xbf16>,
      tpu.vector_store %arg6[%swap3A_312, %swap3A_313, %swap3A_314], %broadcast_in_dim3A_33 {strides = array<i32>} : memref<2x200x64xbf16, #tpu.memory_space<vmem>>, vector<32xbf16>,
      %swap3A_316 = arith.constant 1 : i32
      %swap3A_317 = arith.index_cast %swap3A_316 : i32 to index
      %swap3A_318 = arith.index_cast %add3A_301 : i32 to index
      %swap3A_319 = arith.constant 32 : index
      %swap3A_320 = tpu.vector_load %arg6[%swap3A_317, %swap3A_318, %swap3A_319] {strides = array<i32>} : memref<2x200x64xbf16, #tpu.memory_space<vmem>>, vector<32xbf16>,
      tpu.vector_store %arg6[%swap3A_317, %swap3A_318, %swap3A_319], %broadcast_in_dim3A_33 {strides = array<i32>} : memref<2x200x64xbf16, #tpu.memory_space<vmem>>, vector<32xbf16>,
      %mul3A_321 = arith.constant 4 : i32
      %mul3A_322 = arith.muli %scan3A_296, %mul3A_321 : i32
      %add3A_323 = arith.constant 1 : i32
      %add3A_324 = arith.addi %mul3A_322, %add3A_323 : i32
      %swap3A_325 = arith.constant 0 : i32
      %swap3A_326 = arith.index_cast %swap3A_325 : i32 to index
      %swap3A_327 = arith.index_cast %add3A_324 : i32 to index
      %swap3A_328 = arith.constant 0 : index
      %swap3A_329 = tpu.vector_load %arg6[%swap3A_326, %swap3A_327, %swap3A_328] {strides = array<i32>} : memref<2x200x64xbf16, #tpu.memory_space<vmem>>, vector<32xbf16>,
      tpu.vector_store %arg6[%swap3A_326, %swap3A_327, %swap3A_328], %broadcast_in_dim3A_33 {strides = array<i32>} : memref<2x200x64xbf16, #tpu.memory_space<vmem>>, vector<32xbf16>,
      %swap3A_330 = arith.constant 0 : i32
      %swap3A_331 = arith.index_cast %swap3A_330 : i32 to index
      %swap3A_332 = arith.index_cast %add3A_324 : i32 to index
      %swap3A_333 = arith.constant 32 : index
      %swap3A_334 = tpu.vector_load %arg6[%swap3A_331, %swap3A_332, %swap3A_333] {strides = array<i32>} : memref<2x200x64xbf16, #tpu.memory_space<vmem>>, vector<32xbf16>,
      tpu.vector_store %arg6[%swap3A_331, %swap3A_332, %swap3A_333], %broadcast_in_dim3A_33 {strides = array<i32>} : memref<2x200x64xbf16, #tpu.memory_space<vmem>>, vector<32xbf16>,
      %swap3A_335 = arith.constant 1 : i32
      %swap3A_336 = arith.index_cast %swap3A_335 : i32 to index
      %swap3A_337 = arith.index_cast %add3A_324 : i32 to index
      %swap3A_338 = arith.constant 0 : index
      %swap3A_339 = tpu.vector_load %arg6[%swap3A_336, %swap3A_337, %swap3A_338] {strides = array<i32>} : memref<2x200x64xbf16, #tpu.memory_space<vmem>>, vector<32xbf16>,
      tpu.vector_store %arg6[%swap3A_336, %swap3A_337, %swap3A_338], %broadcast_in_dim3A_33 {strides = array<i32>} : memref<2x200x64xbf16, #tpu.memory_space<vmem>>, vector<32xbf16>,
      %swap3A_340 = arith.constant 1 : i32
      %swap3A_341 = arith.index_cast %swap3A_340 : i32 to index
      %swap3A_342 = arith.index_cast %add3A_324 : i32 to index
      %swap3A_343 = arith.constant 32 : index
      %swap3A_344 = tpu.vector_load %arg6[%swap3A_341, %swap3A_342, %swap3A_343] {strides = array<i32>} : memref<2x200x64xbf16, #tpu.memory_space<vmem>>, vector<32xbf16>,
      tpu.vector_store %arg6[%swap3A_341, %swap3A_342, %swap3A_343], %broadcast_in_dim3A_33 {strides = array<i32>} : memref<2x200x64xbf16, #tpu.memory_space<vmem>>, vector<32xbf16>,
      %mul3A_345 = arith.constant 4 : i32
      %mul3A_346 = arith.muli %scan3A_296, %mul3A_345 : i32
      %add3A_347 = arith.constant 2 : i32
      %add3A_348 = arith.addi %mul3A_346, %add3A_347 : i32
      %swap3A_349 = arith.constant 0 : i32
      %swap3A_350 = arith.index_cast %swap3A_349 : i32 to index
      %swap3A_351 = arith.index_cast %add3A_348 : i32 to index
      %swap3A_352 = arith.constant 0 : index
      %swap3A_353 = tpu.vector_load %arg6[%swap3A_350, %swap3A_351, %swap3A_352] {strides = array<i32>} : memref<2x200x64xbf16, #tpu.memory_space<vmem>>, vector<32xbf16>,
      tpu.vector_store %arg6[%swap3A_350, %swap3A_351, %swap3A_352], %broadcast_in_dim3A_33 {strides = array<i32>} : memref<2x200x64xbf16, #tpu.memory_space<vmem>>, vector<32xbf16>,
      %swap3A_354 = arith.constant 0 : i32
      %swap3A_355 = arith.index_cast %swap3A_354 : i32 to index
      %swap3A_356 = arith.index_cast %add3A_348 : i32 to index
      %swap3A_357 = arith.constant 32 : index
      %swap3A_358 = tpu.vector_load %arg6[%swap3A_355, %swap3A_356, %swap3A_357] {strides = array<i32>} : memref<2x200x64xbf16, #tpu.memory_space<vmem>>, vector<32xbf16>,
      tpu.vector_store %arg6[%swap3A_355, %swap3A_356, %swap3A_357], %broadcast_in_dim3A_33 {strides = array<i32>} : memref<2x200x64xbf16, #tpu.memory_space<vmem>>, vector<32xbf16>,
      %swap3A_359 = arith.constant 1 : i32
      %swap3A_360 = arith.index_cast %swap3A_359 : i32 to index
      %swap3A_361 = arith.index_cast %add3A_348 : i32 to index
      %swap3A_362 = arith.constant 0 : index
      %swap3A_363 = tpu.vector_load %arg6[%swap3A_360, %swap3A_361, %swap3A_362] {strides = array<i32>} : memref<2x200x64xbf16, #tpu.memory_space<vmem>>, vector<32xbf16>,
      tpu.vector_store %arg6[%swap3A_360, %swap3A_361, %swap3A_362], %broadcast_in_dim3A_33 {strides = array<i32>} : memref<2x200x64xbf16, #tpu.memory_space<vmem>>, vector<32xbf16>,
      %swap3A_364 = arith.constant 1 : i32
      %swap3A_365 = arith.index_cast %swap3A_364 : i32 to index
      %swap3A_366 = arith.index_cast %add3A_348 : i32 to index
      %swap3A_367 = arith.constant 32 : index
      %swap3A_368 = tpu.vector_load %arg6[%swap3A_365, %swap3A_366, %swap3A_367] {strides = array<i32>} : memref<2x200x64xbf16, #tpu.memory_space<vmem>>, vector<32xbf16>,
      tpu.vector_store %arg6[%swap3A_365, %swap3A_366, %swap3A_367], %broadcast_in_dim3A_33 {strides = array<i32>} : memref<2x200x64xbf16, #tpu.memory_space<vmem>>, vector<32xbf16>,
      %mul3A_369 = arith.constant 4 : i32
      %mul3A_370 = arith.muli %scan3A_296, %mul3A_369 : i32
      %add3A_371 = arith.constant 3 : i32
      %add3A_372 = arith.addi %mul3A_370, %add3A_371 : i32
      %swap3A_373 = arith.constant 0 : i32
      %swap3A_374 = arith.index_cast %swap3A_373 : i32 to index
      %swap3A_375 = arith.index_cast %add3A_372 : i32 to index
      %swap3A_376 = arith.constant 0 : index
      %swap3A_377 = tpu.vector_load %arg6[%swap3A_374, %swap3A_375, %swap3A_376] {strides = array<i32>} : memref<2x200x64xbf16, #tpu.memory_space<vmem>>, vector<32xbf16>,
      tpu.vector_store %arg6[%swap3A_374, %swap3A_375, %swap3A_376], %broadcast_in_dim3A_33 {strides = array<i32>} : memref<2x200x64xbf16, #tpu.memory_space<vmem>>, vector<32xbf16>,
      %swap3A_378 = arith.constant 0 : i32
      %swap3A_379 = arith.index_cast %swap3A_378 : i32 to index
      %swap3A_380 = arith.index_cast %add3A_372 : i32 to index
      %swap3A_381 = arith.constant 32 : index
      %swap3A_382 = tpu.vector_load %arg6[%swap3A_379, %swap3A_380, %swap3A_381] {strides = array<i32>} : memref<2x200x64xbf16, #tpu.memory_space<vmem>>, vector<32xbf16>,
      tpu.vector_store %arg6[%swap3A_379, %swap3A_380, %swap3A_381], %broadcast_in_dim3A_33 {strides = array<i32>} : memref<2x200x64xbf16, #tpu.memory_space<vmem>>, vector<32xbf16>,
      %swap3A_383 = arith.constant 1 : i32
      %swap3A_384 = arith.index_cast %swap3A_383 : i32 to index
      %swap3A_385 = arith.index_cast %add3A_372 : i32 to index
      %swap3A_386 = arith.constant 0 : index
      %swap3A_387 = tpu.vector_load %arg6[%swap3A_384, %swap3A_385, %swap3A_386] {strides = array<i32>} : memref<2x200x64xbf16, #tpu.memory_space<vmem>>, vector<32xbf16>,
      tpu.vector_store %arg6[%swap3A_384, %swap3A_385, %swap3A_386], %broadcast_in_dim3A_33 {strides = array<i32>} : memref<2x200x64xbf16, #tpu.memory_space<vmem>>, vector<32xbf16>,
      %swap3A_388 = arith.constant 1 : i32
      %swap3A_389 = arith.index_cast %swap3A_388 : i32 to index
      %swap3A_390 = arith.index_cast %add3A_372 : i32 to index
      %swap3A_391 = arith.constant 32 : index
      %swap3A_392 = tpu.vector_load %arg6[%swap3A_389, %swap3A_390, %swap3A_391] {strides = array<i32>} : memref<2x200x64xbf16, #tpu.memory_space<vmem>>, vector<32xbf16>,
      tpu.vector_store %arg6[%swap3A_389, %swap3A_390, %swap3A_391], %broadcast_in_dim3A_33 {strides = array<i32>} : memref<2x200x64xbf16, #tpu.memory_space<vmem>>, vector<32xbf16>,
      %scan3A_393 = arith.constant 0 : i32
      scf.yield %scan3A_393 : i32
    }
    %scan3A_39 = arith.constant 50 : i32
    %mul3A_40 = arith.constant 25000 : i32
    %mul3A_41 = arith.muli %select_n3A_30, %mul3A_40 : i32
    %add3A_42 = arith.constant 0 : i32
    %add3A_43 = arith.addi %mul3A_41, %add3A_42 : i32
    %dma_start3A = arith.constant 0 : i32
    %dma_start3A_44 = arith.constant 0 : i32
    %dma_start3A_45 = arith.constant 0 : i32
    %dma_start3A_46 = arith.constant 0 : i32
    %dma_start3A_47 = tpu.memref_slice %arg5[%dma_start3A, %dma_start3A_45, %dma_start3A_46] : memref<2x9x208xi32, #tpu.memory_space<vmem>> -> memref<1x9x200xi32, #tpu.memory_space<vmem>>
    %dma_start3A_48 = tpu.memref_squeeze %dma_start3A_47 : memref<1x9x200xi32, #tpu.memory_space<vmem>> -> memref<9x200xi32, #tpu.memory_space<vmem>>
    %dma_start3A_49 = arith.constant 0 : i32
    %dma_start3A_50 = tpu.memref_slice %arg2[%dma_start3A_49, %add3A_43] : memref<9x100000xi32, #tpu.memory_space<hbm>> -> memref<9x200xi32, #tpu.memory_space<hbm>>
    %dma_start3A_51 = tpu.memref_slice %arg8[%dma_start3A_44] : memref<2x!tpu.dma_semaphore, #tpu.memory_space<semaphore_mem>> -> memref<1x!tpu.dma_semaphore, #tpu.memory_space<semaphore_mem>>
    %dma_start3A_52 = tpu.memref_squeeze %dma_start3A_51 : memref<1x!tpu.dma_semaphore, #tpu.memory_space<semaphore_mem>> -> memref<!tpu.dma_semaphore, #tpu.memory_space<semaphore_mem>>
    %dma_start3A_53 = arith.constant 0 : i32
    %dma_start3A_54 = arith.constant 0 : i32
    %dma_start3A_55 = tpu.memref_slice %arg5[%dma_start3A, %dma_start3A_53, %dma_start3A_54] : memref<2x9x208xi32, #tpu.memory_space<vmem>> -> memref<1x9x200xi32, #tpu.memory_space<vmem>>
    %dma_start3A_56 = tpu.memref_squeeze %dma_start3A_55 : memref<1x9x200xi32, #tpu.memory_space<vmem>> -> memref<9x200xi32, #tpu.memory_space<vmem>>
    %dma_start3A_57 = arith.constant 0 : i32
    %dma_start3A_58 = tpu.memref_slice %arg2[%dma_start3A_57, %add3A_43] : memref<9x100000xi32, #tpu.memory_space<hbm>> -> memref<9x200xi32, #tpu.memory_space<hbm>>
    tpu.enqueue_dma source(%dma_start3A_58 : memref<9x200xi32, #tpu.memory_space<hbm>>) target(%dma_start3A_56 : memref<9x200xi32, #tpu.memory_space<vmem>>) target_semaphore(%dma_start3A_52 : memref<!tpu.dma_semaphore, #tpu.memory_space<semaphore_mem>>)
    %mul3A_59 = arith.constant 25000 : i32
    %mul3A_60 = arith.muli %select_n3A_30, %mul3A_59 : i32
    %add3A_61 = arith.constant 0 : i32
    %add3A_62 = arith.addi %mul3A_60, %add3A_61 : i32
    %dma_wait3A = arith.constant 0 : i32
    %dma_wait3A_63 = arith.constant 0 : i32
    %dma_wait3A_64 = arith.constant 0 : i32
    %dma_wait3A_65 = arith.constant 0 : i32
    %dma_wait3A_66 = tpu.memref_slice %arg5[%dma_wait3A, %dma_wait3A_64, %dma_wait3A_65] : memref<2x9x208xi32, #tpu.memory_space<vmem>> -> memref<1x9x200xi32, #tpu.memory_space<vmem>>
    %dma_wait3A_67 = tpu.memref_squeeze %dma_wait3A_66 : memref<1x9x200xi32, #tpu.memory_space<vmem>> -> memref<9x200xi32, #tpu.memory_space<vmem>>
    %dma_wait3A_68 = arith.constant 0 : i32
    %dma_wait3A_69 = tpu.memref_slice %arg2[%dma_wait3A_68, %add3A_62] : memref<9x100000xi32, #tpu.memory_space<hbm>> -> memref<9x200xi32, #tpu.memory_space<hbm>>
    %dma_wait3A_70 = tpu.memref_slice %arg8[%dma_wait3A_63] : memref<2x!tpu.dma_semaphore, #tpu.memory_space<semaphore_mem>> -> memref<1x!tpu.dma_semaphore, #tpu.memory_space<semaphore_mem>>
    %dma_wait3A_71 = tpu.memref_squeeze %dma_wait3A_70 : memref<1x!tpu.dma_semaphore, #tpu.memory_space<semaphore_mem>> -> memref<!tpu.dma_semaphore, #tpu.memory_space<semaphore_mem>>
    %dma_wait3A_72 = arith.constant 0 : i32
    %dma_wait3A_73 = arith.constant 0 : i32
    %dma_wait3A_74 = tpu.memref_slice %arg5[%dma_wait3A, %dma_wait3A_72, %dma_wait3A_73] : memref<2x9x208xi32, #tpu.memory_space<vmem>> -> memref<1x9x200xi32, #tpu.memory_space<vmem>>
    %dma_wait3A_75 = tpu.memref_squeeze %dma_wait3A_74 : memref<1x9x200xi32, #tpu.memory_space<vmem>> -> memref<9x200xi32, #tpu.memory_space<vmem>>
    %dma_wait3A_76 = arith.constant 0 : i32
    %dma_wait3A_77 = tpu.memref_slice %arg2[%dma_wait3A_76, %add3A_62] : memref<9x100000xi32, #tpu.memory_space<hbm>> -> memref<9x200xi32, #tpu.memory_space<hbm>>
    tpu.wait_dma2 semaphore(%dma_wait3A_71 : memref<!tpu.dma_semaphore, #tpu.memory_space<semaphore_mem>>) src(%dma_wait3A_77 : memref<9x200xi32, #tpu.memory_space<hbm>>) dst(%dma_wait3A_75 : memref<9x200xi32, #tpu.memory_space<vmem>>)
    %scan3A_78 = arith.constant 0 : i32
    %scan3A_79 = arith.constant 0 : i32
    %scan3A_80 = arith.constant 13 : i32
    %scan3A_81 = arith.addi %scan3A_79, %scan3A_80 : i32
    %scan3A_82 = arith.constant 1 : i32
    %scan3A_83 = scf.for %scan3A_296 = %scan3A_79 to %scan3A_81 step %scan3A_82 iter_args(%scan3A_297 = %scan3A_78) -> (i32)  : i32 {
      %mul3A_298 = arith.constant 16 : i32
      %mul3A_299 = arith.muli %scan3A_296, %mul3A_298 : i32
      %get3A = arith.constant 0 : i32
      %get3A_300 = arith.constant 0 : i32
      %get3A_301 = arith.index_cast %get3A : i32 to index
      %get3A_302 = arith.index_cast %get3A_300 : i32 to index
      %get3A_303 = arith.index_cast %mul3A_299 : i32 to index
      %get3A_304 = tpu.vector_load %arg5[%get3A_301, %get3A_302, %get3A_303] {strides = array<i32>} : memref<2x9x208xi32, #tpu.memory_space<vmem>>, vector<16xi32>,
      %add3A_305 = vector.broadcast %mul3A_32 : i32 to vector<16xi32>
      %add3A_306 = arith.addi %get3A_304, %add3A_305 : vector<16xi32>
      %mul3A_307 = arith.constant 16 : i32
      %mul3A_308 = arith.muli %scan3A_296, %mul3A_307 : i32
      %swap3A = arith.constant 0 : i32
      %swap3A_309 = arith.constant 0 : i32
      %swap3A_310 = arith.index_cast %swap3A : i32 to index
      %swap3A_311 = arith.index_cast %swap3A_309 : i32 to index
      %swap3A_312 = arith.index_cast %mul3A_308 : i32 to index
      %swap3A_313 = tpu.vector_load %arg5[%swap3A_310, %swap3A_311, %swap3A_312] {strides = array<i32>} : memref<2x9x208xi32, #tpu.memory_space<vmem>>, vector<16xi32>,
      tpu.vector_store %arg5[%swap3A_310, %swap3A_311, %swap3A_312], %add3A_306 {strides = array<i32>} : memref<2x9x208xi32, #tpu.memory_space<vmem>>, vector<16xi32>,
      %mul3A_314 = arith.constant 16 : i32
      %mul3A_315 = arith.muli %scan3A_296, %mul3A_314 : i32
      %get3A_316 = arith.constant 0 : i32
      %get3A_317 = arith.constant 1 : i32
      %get3A_318 = arith.index_cast %get3A_316 : i32 to index
      %get3A_319 = arith.index_cast %get3A_317 : i32 to index
      %get3A_320 = arith.index_cast %mul3A_315 : i32 to index
      %get3A_321 = tpu.vector_load %arg5[%get3A_318, %get3A_319, %get3A_320] {strides = array<i32>} : memref<2x9x208xi32, #tpu.memory_space<vmem>>, vector<16xi32>,
      %add3A_322 = vector.broadcast %mul3A_32 : i32 to vector<16xi32>
      %add3A_323 = arith.addi %get3A_321, %add3A_322 : vector<16xi32>
      %mul3A_324 = arith.constant 16 : i32
      %mul3A_325 = arith.muli %scan3A_296, %mul3A_324 : i32
      %swap3A_326 = arith.constant 0 : i32
      %swap3A_327 = arith.constant 1 : i32
      %swap3A_328 = arith.index_cast %swap3A_326 : i32 to index
      %swap3A_329 = arith.index_cast %swap3A_327 : i32 to index
      %swap3A_330 = arith.index_cast %mul3A_325 : i32 to index
      %swap3A_331 = tpu.vector_load %arg5[%swap3A_328, %swap3A_329, %swap3A_330] {strides = array<i32>} : memref<2x9x208xi32, #tpu.memory_space<vmem>>, vector<16xi32>,
      tpu.vector_store %arg5[%swap3A_328, %swap3A_329, %swap3A_330], %add3A_323 {strides = array<i32>} : memref<2x9x208xi32, #tpu.memory_space<vmem>>, vector<16xi32>,
      %mul3A_332 = arith.constant 16 : i32
      %mul3A_333 = arith.muli %scan3A_296, %mul3A_332 : i32
      %get3A_334 = arith.constant 0 : i32
      %get3A_335 = arith.constant 2 : i32
      %get3A_336 = arith.index_cast %get3A_334 : i32 to index
      %get3A_337 = arith.index_cast %get3A_335 : i32 to index
      %get3A_338 = arith.index_cast %mul3A_333 : i32 to index
      %get3A_339 = tpu.vector_load %arg5[%get3A_336, %get3A_337, %get3A_338] {strides = array<i32>} : memref<2x9x208xi32, #tpu.memory_space<vmem>>, vector<16xi32>,
      %add3A_340 = vector.broadcast %mul3A_32 : i32 to vector<16xi32>
      %add3A_341 = arith.addi %get3A_339, %add3A_340 : vector<16xi32>
      %mul3A_342 = arith.constant 16 : i32
      %mul3A_343 = arith.muli %scan3A_296, %mul3A_342 : i32
      %swap3A_344 = arith.constant 0 : i32
      %swap3A_345 = arith.constant 2 : i32
      %swap3A_346 = arith.index_cast %swap3A_344 : i32 to index
      %swap3A_347 = arith.index_cast %swap3A_345 : i32 to index
      %swap3A_348 = arith.index_cast %mul3A_343 : i32 to index
      %swap3A_349 = tpu.vector_load %arg5[%swap3A_346, %swap3A_347, %swap3A_348] {strides = array<i32>} : memref<2x9x208xi32, #tpu.memory_space<vmem>>, vector<16xi32>,
      tpu.vector_store %arg5[%swap3A_346, %swap3A_347, %swap3A_348], %add3A_341 {strides = array<i32>} : memref<2x9x208xi32, #tpu.memory_space<vmem>>, vector<16xi32>,
      %mul3A_350 = arith.constant 16 : i32
      %mul3A_351 = arith.muli %scan3A_296, %mul3A_350 : i32
      %get3A_352 = arith.constant 0 : i32
      %get3A_353 = arith.constant 3 : i32
      %get3A_354 = arith.index_cast %get3A_352 : i32 to index
      %get3A_355 = arith.index_cast %get3A_353 : i32 to index
      %get3A_356 = arith.index_cast %mul3A_351 : i32 to index
      %get3A_357 = tpu.vector_load %arg5[%get3A_354, %get3A_355, %get3A_356] {strides = array<i32>} : memref<2x9x208xi32, #tpu.memory_space<vmem>>, vector<16xi32>,
      %add3A_358 = vector.broadcast %mul3A_32 : i32 to vector<16xi32>
      %add3A_359 = arith.addi %get3A_357, %add3A_358 : vector<16xi32>
      %mul3A_360 = arith.constant 16 : i32
      %mul3A_361 = arith.muli %scan3A_296, %mul3A_360 : i32
      %swap3A_362 = arith.constant 0 : i32
      %swap3A_363 = arith.constant 3 : i32
      %swap3A_364 = arith.index_cast %swap3A_362 : i32 to index
      %swap3A_365 = arith.index_cast %swap3A_363 : i32 to index
      %swap3A_366 = arith.index_cast %mul3A_361 : i32 to index
      %swap3A_367 = tpu.vector_load %arg5[%swap3A_364, %swap3A_365, %swap3A_366] {strides = array<i32>} : memref<2x9x208xi32, #tpu.memory_space<vmem>>, vector<16xi32>,
      tpu.vector_store %arg5[%swap3A_364, %swap3A_365, %swap3A_366], %add3A_359 {strides = array<i32>} : memref<2x9x208xi32, #tpu.memory_space<vmem>>, vector<16xi32>,
      %mul3A_368 = arith.constant 16 : i32
      %mul3A_369 = arith.muli %scan3A_296, %mul3A_368 : i32
      %get3A_370 = arith.constant 0 : i32
      %get3A_371 = arith.constant 4 : i32
      %get3A_372 = arith.index_cast %get3A_370 : i32 to index
      %get3A_373 = arith.index_cast %get3A_371 : i32 to index
      %get3A_374 = arith.index_cast %mul3A_369 : i32 to index
      %get3A_375 = tpu.vector_load %arg5[%get3A_372, %get3A_373, %get3A_374] {strides = array<i32>} : memref<2x9x208xi32, #tpu.memory_space<vmem>>, vector<16xi32>,
      %add3A_376 = vector.broadcast %mul3A_32 : i32 to vector<16xi32>
      %add3A_377 = arith.addi %get3A_375, %add3A_376 : vector<16xi32>
      %mul3A_378 = arith.constant 16 : i32
      %mul3A_379 = arith.muli %scan3A_296, %mul3A_378 : i32
      %swap3A_380 = arith.constant 0 : i32
      %swap3A_381 = arith.constant 4 : i32
      %swap3A_382 = arith.index_cast %swap3A_380 : i32 to index
      %swap3A_383 = arith.index_cast %swap3A_381 : i32 to index
      %swap3A_384 = arith.index_cast %mul3A_379 : i32 to index
      %swap3A_385 = tpu.vector_load %arg5[%swap3A_382, %swap3A_383, %swap3A_384] {strides = array<i32>} : memref<2x9x208xi32, #tpu.memory_space<vmem>>, vector<16xi32>,
      tpu.vector_store %arg5[%swap3A_382, %swap3A_383, %swap3A_384], %add3A_377 {strides = array<i32>} : memref<2x9x208xi32, #tpu.memory_space<vmem>>, vector<16xi32>,
      %mul3A_386 = arith.constant 16 : i32
      %mul3A_387 = arith.muli %scan3A_296, %mul3A_386 : i32
      %get3A_388 = arith.constant 0 : i32
      %get3A_389 = arith.constant 5 : i32
      %get3A_390 = arith.index_cast %get3A_388 : i32 to index
      %get3A_391 = arith.index_cast %get3A_389 : i32 to index
      %get3A_392 = arith.index_cast %mul3A_387 : i32 to index
      %get3A_393 = tpu.vector_load %arg5[%get3A_390, %get3A_391, %get3A_392] {strides = array<i32>} : memref<2x9x208xi32, #tpu.memory_space<vmem>>, vector<16xi32>,
      %add3A_394 = vector.broadcast %mul3A_32 : i32 to vector<16xi32>
      %add3A_395 = arith.addi %get3A_393, %add3A_394 : vector<16xi32>
      %mul3A_396 = arith.constant 16 : i32
      %mul3A_397 = arith.muli %scan3A_296, %mul3A_396 : i32
      %swap3A_398 = arith.constant 0 : i32
      %swap3A_399 = arith.constant 5 : i32
      %swap3A_400 = arith.index_cast %swap3A_398 : i32 to index
      %swap3A_401 = arith.index_cast %swap3A_399 : i32 to index
      %swap3A_402 = arith.index_cast %mul3A_397 : i32 to index
      %swap3A_403 = tpu.vector_load %arg5[%swap3A_400, %swap3A_401, %swap3A_402] {strides = array<i32>} : memref<2x9x208xi32, #tpu.memory_space<vmem>>, vector<16xi32>,
      tpu.vector_store %arg5[%swap3A_400, %swap3A_401, %swap3A_402], %add3A_395 {strides = array<i32>} : memref<2x9x208xi32, #tpu.memory_space<vmem>>, vector<16xi32>,
      %mul3A_404 = arith.constant 16 : i32
      %mul3A_405 = arith.muli %scan3A_296, %mul3A_404 : i32
      %get3A_406 = arith.constant 0 : i32
      %get3A_407 = arith.constant 6 : i32
      %get3A_408 = arith.index_cast %get3A_406 : i32 to index
      %get3A_409 = arith.index_cast %get3A_407 : i32 to index
      %get3A_410 = arith.index_cast %mul3A_405 : i32 to index
      %get3A_411 = tpu.vector_load %arg5[%get3A_408, %get3A_409, %get3A_410] {strides = array<i32>} : memref<2x9x208xi32, #tpu.memory_space<vmem>>, vector<16xi32>,
      %add3A_412 = vector.broadcast %mul3A_32 : i32 to vector<16xi32>
      %add3A_413 = arith.addi %get3A_411, %add3A_412 : vector<16xi32>
      %mul3A_414 = arith.constant 16 : i32
      %mul3A_415 = arith.muli %scan3A_296, %mul3A_414 : i32
      %swap3A_416 = arith.constant 0 : i32
      %swap3A_417 = arith.constant 6 : i32
      %swap3A_418 = arith.index_cast %swap3A_416 : i32 to index
      %swap3A_419 = arith.index_cast %swap3A_417 : i32 to index
      %swap3A_420 = arith.index_cast %mul3A_415 : i32 to index
      %swap3A_421 = tpu.vector_load %arg5[%swap3A_418, %swap3A_419, %swap3A_420] {strides = array<i32>} : memref<2x9x208xi32, #tpu.memory_space<vmem>>, vector<16xi32>,
      tpu.vector_store %arg5[%swap3A_418, %swap3A_419, %swap3A_420], %add3A_413 {strides = array<i32>} : memref<2x9x208xi32, #tpu.memory_space<vmem>>, vector<16xi32>,
      %mul3A_422 = arith.constant 16 : i32
      %mul3A_423 = arith.muli %scan3A_296, %mul3A_422 : i32
      %get3A_424 = arith.constant 0 : i32
      %get3A_425 = arith.constant 7 : i32
      %get3A_426 = arith.index_cast %get3A_424 : i32 to index
      %get3A_427 = arith.index_cast %get3A_425 : i32 to index
      %get3A_428 = arith.index_cast %mul3A_423 : i32 to index
      %get3A_429 = tpu.vector_load %arg5[%get3A_426, %get3A_427, %get3A_428] {strides = array<i32>} : memref<2x9x208xi32, #tpu.memory_space<vmem>>, vector<16xi32>,
      %add3A_430 = vector.broadcast %mul3A_32 : i32 to vector<16xi32>
      %add3A_431 = arith.addi %get3A_429, %add3A_430 : vector<16xi32>
      %mul3A_432 = arith.constant 16 : i32
      %mul3A_433 = arith.muli %scan3A_296, %mul3A_432 : i32
      %swap3A_434 = arith.constant 0 : i32
      %swap3A_435 = arith.constant 7 : i32
      %swap3A_436 = arith.index_cast %swap3A_434 : i32 to index
      %swap3A_437 = arith.index_cast %swap3A_435 : i32 to index
      %swap3A_438 = arith.index_cast %mul3A_433 : i32 to index
      %swap3A_439 = tpu.vector_load %arg5[%swap3A_436, %swap3A_437, %swap3A_438] {strides = array<i32>} : memref<2x9x208xi32, #tpu.memory_space<vmem>>, vector<16xi32>,
      tpu.vector_store %arg5[%swap3A_436, %swap3A_437, %swap3A_438], %add3A_431 {strides = array<i32>} : memref<2x9x208xi32, #tpu.memory_space<vmem>>, vector<16xi32>,
      %mul3A_440 = arith.constant 16 : i32
      %mul3A_441 = arith.muli %scan3A_296, %mul3A_440 : i32
      %get3A_442 = arith.constant 0 : i32
      %get3A_443 = arith.constant 8 : i32
      %get3A_444 = arith.index_cast %get3A_442 : i32 to index
      %get3A_445 = arith.index_cast %get3A_443 : i32 to index
      %get3A_446 = arith.index_cast %mul3A_441 : i32 to index
      %get3A_447 = tpu.vector_load %arg5[%get3A_444, %get3A_445, %get3A_446] {strides = array<i32>} : memref<2x9x208xi32, #tpu.memory_space<vmem>>, vector<16xi32>,
      %add3A_448 = vector.broadcast %mul3A_32 : i32 to vector<16xi32>
      %add3A_449 = arith.addi %get3A_447, %add3A_448 : vector<16xi32>
      %mul3A_450 = arith.constant 16 : i32
      %mul3A_451 = arith.muli %scan3A_296, %mul3A_450 : i32
      %swap3A_452 = arith.constant 0 : i32
      %swap3A_453 = arith.constant 8 : i32
      %swap3A_454 = arith.index_cast %swap3A_452 : i32 to index
      %swap3A_455 = arith.index_cast %swap3A_453 : i32 to index
      %swap3A_456 = arith.index_cast %mul3A_451 : i32 to index
      %swap3A_457 = tpu.vector_load %arg5[%swap3A_454, %swap3A_455, %swap3A_456] {strides = array<i32>} : memref<2x9x208xi32, #tpu.memory_space<vmem>>, vector<16xi32>,
      tpu.vector_store %arg5[%swap3A_454, %swap3A_455, %swap3A_456], %add3A_449 {strides = array<i32>} : memref<2x9x208xi32, #tpu.memory_space<vmem>>, vector<16xi32>,
      %scan3A_458 = arith.constant 0 : i32
      scf.yield %scan3A_458 : i32
    }
    %scan3A_84 = arith.constant 13 : i32
    %dma_start3A_85 = arith.constant 0 : i32
    %dma_start3A_86 = arith.constant 0 : i32
    %dma_start3A_87 = arith.constant 0 : i32
    %dma_start3A_88 = arith.constant 0 : i32
    %dma_start3A_89 = arith.constant 0 : i32
    %dma_start3A_90 = arith.constant 0 : i32
    %dma_start3A_91 = tpu.memref_slice %arg6[%dma_start3A_87, %dma_start3A_89, %dma_start3A_90] : memref<2x200x64xbf16, #tpu.memory_space<vmem>> -> memref<1x200x64xbf16, #tpu.memory_space<vmem>>
    %dma_start3A_92 = tpu.memref_squeeze %dma_start3A_91 : memref<1x200x64xbf16, #tpu.memory_space<vmem>> -> memref<200x64xbf16, #tpu.memory_space<vmem>>
    %dma_start3A_93 = arith.constant 0 : i32
    %dma_start3A_94 = tpu.memref_slice %arg5[%dma_start3A_85, %dma_start3A_86, %dma_start3A_93] : memref<2x9x208xi32, #tpu.memory_space<vmem>> -> memref<1x1x200xi32, #tpu.memory_space<vmem>>
    %dma_start3A_95 = tpu.memref_squeeze %dma_start3A_94 : memref<1x1x200xi32, #tpu.memory_space<vmem>> -> memref<200xi32, #tpu.memory_space<vmem>>
    %dma_start3A_96 = arith.constant 0 : i32
    %dma_start3A_97 = arith.constant 0 : i32
    %dma_start3A_98 = tpu.memref_slice %arg3[%dma_start3A_96, %dma_start3A_97] : memref<7200x64xbf16, #tpu.memory_space<hbm>> -> memref<7200x64xbf16, #tpu.memory_space<hbm>>
    %dma_start3A_99 = tpu.memref_slice %arg9[%dma_start3A_88] : memref<2x!tpu.dma_semaphore, #tpu.memory_space<semaphore_mem>> -> memref<1x!tpu.dma_semaphore, #tpu.memory_space<semaphore_mem>>
    %dma_start3A_100 = tpu.memref_squeeze %dma_start3A_99 : memref<1x!tpu.dma_semaphore, #tpu.memory_space<semaphore_mem>> -> memref<!tpu.dma_semaphore, #tpu.memory_space<semaphore_mem>>
    tpu.enqueue_indirect_dma source(%dma_start3A_98 : memref<7200x64xbf16, #tpu.memory_space<hbm>>) target(%dma_start3A_92 : memref<200x64xbf16, #tpu.memory_space<vmem>>) offsets(%dma_start3A_95 : memref<200xi32, #tpu.memory_space<vmem>>) semaphore(%dma_start3A_100 : memref<!tpu.dma_semaphore, #tpu.memory_space<semaphore_mem>>) {add = true}
    %dma_start3A_101 = arith.constant 0 : i32
    %dma_start3A_102 = arith.constant 1 : i32
    %dma_start3A_103 = arith.constant 0 : i32
    %dma_start3A_104 = arith.constant 0 : i32
    %dma_start3A_105 = arith.constant 0 : i32
    %dma_start3A_106 = arith.constant 0 : i32
    %dma_start3A_107 = tpu.memref_slice %arg6[%dma_start3A_103, %dma_start3A_105, %dma_start3A_106] : memref<2x200x64xbf16, #tpu.memory_space<vmem>> -> memref<1x200x64xbf16, #tpu.memory_space<vmem>>
    %dma_start3A_108 = tpu.memref_squeeze %dma_start3A_107 : memref<1x200x64xbf16, #tpu.memory_space<vmem>> -> memref<200x64xbf16, #tpu.memory_space<vmem>>
    %dma_start3A_109 = arith.constant 0 : i32
    %dma_start3A_110 = tpu.memref_slice %arg5[%dma_start3A_101, %dma_start3A_102, %dma_start3A_109] : memref<2x9x208xi32, #tpu.memory_space<vmem>> -> memref<1x1x200xi32, #tpu.memory_space<vmem>>
    %dma_start3A_111 = tpu.memref_squeeze %dma_start3A_110 : memref<1x1x200xi32, #tpu.memory_space<vmem>> -> memref<200xi32, #tpu.memory_space<vmem>>
    %dma_start3A_112 = arith.constant 0 : i32
    %dma_start3A_113 = arith.constant 0 : i32
    %dma_start3A_114 = tpu.memref_slice %arg3[%dma_start3A_112, %dma_start3A_113] : memref<7200x64xbf16, #tpu.memory_space<hbm>> -> memref<7200x64xbf16, #tpu.memory_space<hbm>>
    %dma_start3A_115 = tpu.memref_slice %arg9[%dma_start3A_104] : memref<2x!tpu.dma_semaphore, #tpu.memory_space<semaphore_mem>> -> memref<1x!tpu.dma_semaphore, #tpu.memory_space<semaphore_mem>>
    %dma_start3A_116 = tpu.memref_squeeze %dma_start3A_115 : memref<1x!tpu.dma_semaphore, #tpu.memory_space<semaphore_mem>> -> memref<!tpu.dma_semaphore, #tpu.memory_space<semaphore_mem>>
    tpu.enqueue_indirect_dma source(%dma_start3A_114 : memref<7200x64xbf16, #tpu.memory_space<hbm>>) target(%dma_start3A_108 : memref<200x64xbf16, #tpu.memory_space<vmem>>) offsets(%dma_start3A_111 : memref<200xi32, #tpu.memory_space<vmem>>) semaphore(%dma_start3A_116 : memref<!tpu.dma_semaphore, #tpu.memory_space<semaphore_mem>>) {add = true}
    %dma_start3A_117 = arith.constant 0 : i32
    %dma_start3A_118 = arith.constant 2 : i32
    %dma_start3A_119 = arith.constant 0 : i32
    %dma_start3A_120 = arith.constant 0 : i32
    %dma_start3A_121 = arith.constant 0 : i32
    %dma_start3A_122 = arith.constant 0 : i32
    %dma_start3A_123 = tpu.memref_slice %arg6[%dma_start3A_119, %dma_start3A_121, %dma_start3A_122] : memref<2x200x64xbf16, #tpu.memory_space<vmem>> -> memref<1x200x64xbf16, #tpu.memory_space<vmem>>
    %dma_start3A_124 = tpu.memref_squeeze %dma_start3A_123 : memref<1x200x64xbf16, #tpu.memory_space<vmem>> -> memref<200x64xbf16, #tpu.memory_space<vmem>>
    %dma_start3A_125 = arith.constant 0 : i32
    %dma_start3A_126 = tpu.memref_slice %arg5[%dma_start3A_117, %dma_start3A_118, %dma_start3A_125] : memref<2x9x208xi32, #tpu.memory_space<vmem>> -> memref<1x1x200xi32, #tpu.memory_space<vmem>>
    %dma_start3A_127 = tpu.memref_squeeze %dma_start3A_126 : memref<1x1x200xi32, #tpu.memory_space<vmem>> -> memref<200xi32, #tpu.memory_space<vmem>>
    %dma_start3A_128 = arith.constant 0 : i32
    %dma_start3A_129 = arith.constant 0 : i32
    %dma_start3A_130 = tpu.memref_slice %arg3[%dma_start3A_128, %dma_start3A_129] : memref<7200x64xbf16, #tpu.memory_space<hbm>> -> memref<7200x64xbf16, #tpu.memory_space<hbm>>
    %dma_start3A_131 = tpu.memref_slice %arg9[%dma_start3A_120] : memref<2x!tpu.dma_semaphore, #tpu.memory_space<semaphore_mem>> -> memref<1x!tpu.dma_semaphore, #tpu.memory_space<semaphore_mem>>
    %dma_start3A_132 = tpu.memref_squeeze %dma_start3A_131 : memref<1x!tpu.dma_semaphore, #tpu.memory_space<semaphore_mem>> -> memref<!tpu.dma_semaphore, #tpu.memory_space<semaphore_mem>>
    tpu.enqueue_indirect_dma source(%dma_start3A_130 : memref<7200x64xbf16, #tpu.memory_space<hbm>>) target(%dma_start3A_124 : memref<200x64xbf16, #tpu.memory_space<vmem>>) offsets(%dma_start3A_127 : memref<200xi32, #tpu.memory_space<vmem>>) semaphore(%dma_start3A_132 : memref<!tpu.dma_semaphore, #tpu.memory_space<semaphore_mem>>) {add = true}
    %dma_start3A_133 = arith.constant 0 : i32
    %dma_start3A_134 = arith.constant 3 : i32
    %dma_start3A_135 = arith.constant 0 : i32
    %dma_start3A_136 = arith.constant 0 : i32
    %dma_start3A_137 = arith.constant 0 : i32
    %dma_start3A_138 = arith.constant 0 : i32
    %dma_start3A_139 = tpu.memref_slice %arg6[%dma_start3A_135, %dma_start3A_137, %dma_start3A_138] : memref<2x200x64xbf16, #tpu.memory_space<vmem>> -> memref<1x200x64xbf16, #tpu.memory_space<vmem>>
    %dma_start3A_140 = tpu.memref_squeeze %dma_start3A_139 : memref<1x200x64xbf16, #tpu.memory_space<vmem>> -> memref<200x64xbf16, #tpu.memory_space<vmem>>
    %dma_start3A_141 = arith.constant 0 : i32
    %dma_start3A_142 = tpu.memref_slice %arg5[%dma_start3A_133, %dma_start3A_134, %dma_start3A_141] : memref<2x9x208xi32, #tpu.memory_space<vmem>> -> memref<1x1x200xi32, #tpu.memory_space<vmem>>
    %dma_start3A_143 = tpu.memref_squeeze %dma_start3A_142 : memref<1x1x200xi32, #tpu.memory_space<vmem>> -> memref<200xi32, #tpu.memory_space<vmem>>
    %dma_start3A_144 = arith.constant 0 : i32
    %dma_start3A_145 = arith.constant 0 : i32
    %dma_start3A_146 = tpu.memref_slice %arg3[%dma_start3A_144, %dma_start3A_145] : memref<7200x64xbf16, #tpu.memory_space<hbm>> -> memref<7200x64xbf16, #tpu.memory_space<hbm>>
    %dma_start3A_147 = tpu.memref_slice %arg9[%dma_start3A_136] : memref<2x!tpu.dma_semaphore, #tpu.memory_space<semaphore_mem>> -> memref<1x!tpu.dma_semaphore, #tpu.memory_space<semaphore_mem>>
    %dma_start3A_148 = tpu.memref_squeeze %dma_start3A_147 : memref<1x!tpu.dma_semaphore, #tpu.memory_space<semaphore_mem>> -> memref<!tpu.dma_semaphore, #tpu.memory_space<semaphore_mem>>
    tpu.enqueue_indirect_dma source(%dma_start3A_146 : memref<7200x64xbf16, #tpu.memory_space<hbm>>) target(%dma_start3A_140 : memref<200x64xbf16, #tpu.memory_space<vmem>>) offsets(%dma_start3A_143 : memref<200xi32, #tpu.memory_space<vmem>>) semaphore(%dma_start3A_148 : memref<!tpu.dma_semaphore, #tpu.memory_space<semaphore_mem>>) {add = true}
    %dma_start3A_149 = arith.constant 0 : i32
    %dma_start3A_150 = arith.constant 4 : i32
    %dma_start3A_151 = arith.constant 0 : i32
    %dma_start3A_152 = arith.constant 0 : i32
    %dma_start3A_153 = arith.constant 0 : i32
    %dma_start3A_154 = arith.constant 0 : i32
    %dma_start3A_155 = tpu.memref_slice %arg6[%dma_start3A_151, %dma_start3A_153, %dma_start3A_154] : memref<2x200x64xbf16, #tpu.memory_space<vmem>> -> memref<1x200x64xbf16, #tpu.memory_space<vmem>>
    %dma_start3A_156 = tpu.memref_squeeze %dma_start3A_155 : memref<1x200x64xbf16, #tpu.memory_space<vmem>> -> memref<200x64xbf16, #tpu.memory_space<vmem>>
    %dma_start3A_157 = arith.constant 0 : i32
    %dma_start3A_158 = tpu.memref_slice %arg5[%dma_start3A_149, %dma_start3A_150, %dma_start3A_157] : memref<2x9x208xi32, #tpu.memory_space<vmem>> -> memref<1x1x200xi32, #tpu.memory_space<vmem>>
    %dma_start3A_159 = tpu.memref_squeeze %dma_start3A_158 : memref<1x1x200xi32, #tpu.memory_space<vmem>> -> memref<200xi32, #tpu.memory_space<vmem>>
    %dma_start3A_160 = arith.constant 0 : i32
    %dma_start3A_161 = arith.constant 0 : i32
    %dma_start3A_162 = tpu.memref_slice %arg3[%dma_start3A_160, %dma_start3A_161] : memref<7200x64xbf16, #tpu.memory_space<hbm>> -> memref<7200x64xbf16, #tpu.memory_space<hbm>>
    %dma_start3A_163 = tpu.memref_slice %arg9[%dma_start3A_152] : memref<2x!tpu.dma_semaphore, #tpu.memory_space<semaphore_mem>> -> memref<1x!tpu.dma_semaphore, #tpu.memory_space<semaphore_mem>>
    %dma_start3A_164 = tpu.memref_squeeze %dma_start3A_163 : memref<1x!tpu.dma_semaphore, #tpu.memory_space<semaphore_mem>> -> memref<!tpu.dma_semaphore, #tpu.memory_space<semaphore_mem>>
    tpu.enqueue_indirect_dma source(%dma_start3A_162 : memref<7200x64xbf16, #tpu.memory_space<hbm>>) target(%dma_start3A_156 : memref<200x64xbf16, #tpu.memory_space<vmem>>) offsets(%dma_start3A_159 : memref<200xi32, #tpu.memory_space<vmem>>) semaphore(%dma_start3A_164 : memref<!tpu.dma_semaphore, #tpu.memory_space<semaphore_mem>>) {add = true}
    %dma_start3A_165 = arith.constant 0 : i32
    %dma_start3A_166 = arith.constant 5 : i32
    %dma_start3A_167 = arith.constant 0 : i32
    %dma_start3A_168 = arith.constant 0 : i32
    %dma_start3A_169 = arith.constant 0 : i32
    %dma_start3A_170 = arith.constant 0 : i32
    %dma_start3A_171 = tpu.memref_slice %arg6[%dma_start3A_167, %dma_start3A_169, %dma_start3A_170] : memref<2x200x64xbf16, #tpu.memory_space<vmem>> -> memref<1x200x64xbf16, #tpu.memory_space<vmem>>
    %dma_start3A_172 = tpu.memref_squeeze %dma_start3A_171 : memref<1x200x64xbf16, #tpu.memory_space<vmem>> -> memref<200x64xbf16, #tpu.memory_space<vmem>>
    %dma_start3A_173 = arith.constant 0 : i32
    %dma_start3A_174 = tpu.memref_slice %arg5[%dma_start3A_165, %dma_start3A_166, %dma_start3A_173] : memref<2x9x208xi32, #tpu.memory_space<vmem>> -> memref<1x1x200xi32, #tpu.memory_space<vmem>>
    %dma_start3A_175 = tpu.memref_squeeze %dma_start3A_174 : memref<1x1x200xi32, #tpu.memory_space<vmem>> -> memref<200xi32, #tpu.memory_space<vmem>>
    %dma_start3A_176 = arith.constant 0 : i32
    %dma_start3A_177 = arith.constant 0 : i32
    %dma_start3A_178 = tpu.memref_slice %arg3[%dma_start3A_176, %dma_start3A_177] : memref<7200x64xbf16, #tpu.memory_space<hbm>> -> memref<7200x64xbf16, #tpu.memory_space<hbm>>
    %dma_start3A_179 = tpu.memref_slice %arg9[%dma_start3A_168] : memref<2x!tpu.dma_semaphore, #tpu.memory_space<semaphore_mem>> -> memref<1x!tpu.dma_semaphore, #tpu.memory_space<semaphore_mem>>
    %dma_start3A_180 = tpu.memref_squeeze %dma_start3A_179 : memref<1x!tpu.dma_semaphore, #tpu.memory_space<semaphore_mem>> -> memref<!tpu.dma_semaphore, #tpu.memory_space<semaphore_mem>>
    tpu.enqueue_indirect_dma source(%dma_start3A_178 : memref<7200x64xbf16, #tpu.memory_space<hbm>>) target(%dma_start3A_172 : memref<200x64xbf16, #tpu.memory_space<vmem>>) offsets(%dma_start3A_175 : memref<200xi32, #tpu.memory_space<vmem>>) semaphore(%dma_start3A_180 : memref<!tpu.dma_semaphore, #tpu.memory_space<semaphore_mem>>) {add = true}
    %dma_start3A_181 = arith.constant 0 : i32
    %dma_start3A_182 = arith.constant 6 : i32
    %dma_start3A_183 = arith.constant 0 : i32
    %dma_start3A_184 = arith.constant 0 : i32
    %dma_start3A_185 = arith.constant 0 : i32
    %dma_start3A_186 = arith.constant 0 : i32
    %dma_start3A_187 = tpu.memref_slice %arg6[%dma_start3A_183, %dma_start3A_185, %dma_start3A_186] : memref<2x200x64xbf16, #tpu.memory_space<vmem>> -> memref<1x200x64xbf16, #tpu.memory_space<vmem>>
    %dma_start3A_188 = tpu.memref_squeeze %dma_start3A_187 : memref<1x200x64xbf16, #tpu.memory_space<vmem>> -> memref<200x64xbf16, #tpu.memory_space<vmem>>
    %dma_start3A_189 = arith.constant 0 : i32
    %dma_start3A_190 = tpu.memref_slice %arg5[%dma_start3A_181, %dma_start3A_182, %dma_start3A_189] : memref<2x9x208xi32, #tpu.memory_space<vmem>> -> memref<1x1x200xi32, #tpu.memory_space<vmem>>
    %dma_start3A_191 = tpu.memref_squeeze %dma_start3A_190 : memref<1x1x200xi32, #tpu.memory_space<vmem>> -> memref<200xi32, #tpu.memory_space<vmem>>
    %dma_start3A_192 = arith.constant 0 : i32
    %dma_start3A_193 = arith.constant 0 : i32
    %dma_start3A_194 = tpu.memref_slice %arg3[%dma_start3A_192, %dma_start3A_193] : memref<7200x64xbf16, #tpu.memory_space<hbm>> -> memref<7200x64xbf16, #tpu.memory_space<hbm>>
    %dma_start3A_195 = tpu.memref_slice %arg9[%dma_start3A_184] : memref<2x!tpu.dma_semaphore, #tpu.memory_space<semaphore_mem>> -> memref<1x!tpu.dma_semaphore, #tpu.memory_space<semaphore_mem>>
    %dma_start3A_196 = tpu.memref_squeeze %dma_start3A_195 : memref<1x!tpu.dma_semaphore, #tpu.memory_space<semaphore_mem>> -> memref<!tpu.dma_semaphore, #tpu.memory_space<semaphore_mem>>
    tpu.enqueue_indirect_dma source(%dma_start3A_194 : memref<7200x64xbf16, #tpu.memory_space<hbm>>) target(%dma_start3A_188 : memref<200x64xbf16, #tpu.memory_space<vmem>>) offsets(%dma_start3A_191 : memref<200xi32, #tpu.memory_space<vmem>>) semaphore(%dma_start3A_196 : memref<!tpu.dma_semaphore, #tpu.memory_space<semaphore_mem>>) {add = true}
    %dma_start3A_197 = arith.constant 0 : i32
    %dma_start3A_198 = arith.constant 7 : i32
    %dma_start3A_199 = arith.constant 0 : i32
    %dma_start3A_200 = arith.constant 0 : i32
    %dma_start3A_201 = arith.constant 0 : i32
    %dma_start3A_202 = arith.constant 0 : i32
    %dma_start3A_203 = tpu.memref_slice %arg6[%dma_start3A_199, %dma_start3A_201, %dma_start3A_202] : memref<2x200x64xbf16, #tpu.memory_space<vmem>> -> memref<1x200x64xbf16, #tpu.memory_space<vmem>>
    %dma_start3A_204 = tpu.memref_squeeze %dma_start3A_203 : memref<1x200x64xbf16, #tpu.memory_space<vmem>> -> memref<200x64xbf16, #tpu.memory_space<vmem>>
    %dma_start3A_205 = arith.constant 0 : i32
    %dma_start3A_206 = tpu.memref_slice %arg5[%dma_start3A_197, %dma_start3A_198, %dma_start3A_205] : memref<2x9x208xi32, #tpu.memory_space<vmem>> -> memref<1x1x200xi32, #tpu.memory_space<vmem>>
    %dma_start3A_207 = tpu.memref_squeeze %dma_start3A_206 : memref<1x1x200xi32, #tpu.memory_space<vmem>> -> memref<200xi32, #tpu.memory_space<vmem>>
    %dma_start3A_208 = arith.constant 0 : i32
    %dma_start3A_209 = arith.constant 0 : i32
    %dma_start3A_210 = tpu.memref_slice %arg3[%dma_start3A_208, %dma_start3A_209] : memref<7200x64xbf16, #tpu.memory_space<hbm>> -> memref<7200x64xbf16, #tpu.memory_space<hbm>>
    %dma_start3A_211 = tpu.memref_slice %arg9[%dma_start3A_200] : memref<2x!tpu.dma_semaphore, #tpu.memory_space<semaphore_mem>> -> memref<1x!tpu.dma_semaphore, #tpu.memory_space<semaphore_mem>>
    %dma_start3A_212 = tpu.memref_squeeze %dma_start3A_211 : memref<1x!tpu.dma_semaphore, #tpu.memory_space<semaphore_mem>> -> memref<!tpu.dma_semaphore, #tpu.memory_space<semaphore_mem>>
    tpu.enqueue_indirect_dma source(%dma_start3A_210 : memref<7200x64xbf16, #tpu.memory_space<hbm>>) target(%dma_start3A_204 : memref<200x64xbf16, #tpu.memory_space<vmem>>) offsets(%dma_start3A_207 : memref<200xi32, #tpu.memory_space<vmem>>) semaphore(%dma_start3A_212 : memref<!tpu.dma_semaphore, #tpu.memory_space<semaphore_mem>>) {add = true}
    %dma_start3A_213 = arith.constant 0 : i32
    %dma_start3A_214 = arith.constant 8 : i32
    %dma_start3A_215 = arith.constant 0 : i32
    %dma_start3A_216 = arith.constant 0 : i32
    %dma_start3A_217 = arith.constant 0 : i32
    %dma_start3A_218 = arith.constant 0 : i32
    %dma_start3A_219 = tpu.memref_slice %arg6[%dma_start3A_215, %dma_start3A_217, %dma_start3A_218] : memref<2x200x64xbf16, #tpu.memory_space<vmem>> -> memref<1x200x64xbf16, #tpu.memory_space<vmem>>
    %dma_start3A_220 = tpu.memref_squeeze %dma_start3A_219 : memref<1x200x64xbf16, #tpu.memory_space<vmem>> -> memref<200x64xbf16, #tpu.memory_space<vmem>>
    %dma_start3A_221 = arith.constant 0 : i32
    %dma_start3A_222 = tpu.memref_slice %arg5[%dma_start3A_213, %dma_start3A_214, %dma_start3A_221] : memref<2x9x208xi32, #tpu.memory_space<vmem>> -> memref<1x1x200xi32, #tpu.memory_space<vmem>>
    %dma_start3A_223 = tpu.memref_squeeze %dma_start3A_222 : memref<1x1x200xi32, #tpu.memory_space<vmem>> -> memref<200xi32, #tpu.memory_space<vmem>>
    %dma_start3A_224 = arith.constant 0 : i32
    %dma_start3A_225 = arith.constant 0 : i32
    %dma_start3A_226 = tpu.memref_slice %arg3[%dma_start3A_224, %dma_start3A_225] : memref<7200x64xbf16, #tpu.memory_space<hbm>> -> memref<7200x64xbf16, #tpu.memory_space<hbm>>
    %dma_start3A_227 = tpu.memref_slice %arg9[%dma_start3A_216] : memref<2x!tpu.dma_semaphore, #tpu.memory_space<semaphore_mem>> -> memref<1x!tpu.dma_semaphore, #tpu.memory_space<semaphore_mem>>
    %dma_start3A_228 = tpu.memref_squeeze %dma_start3A_227 : memref<1x!tpu.dma_semaphore, #tpu.memory_space<semaphore_mem>> -> memref<!tpu.dma_semaphore, #tpu.memory_space<semaphore_mem>>
    tpu.enqueue_indirect_dma source(%dma_start3A_226 : memref<7200x64xbf16, #tpu.memory_space<hbm>>) target(%dma_start3A_220 : memref<200x64xbf16, #tpu.memory_space<vmem>>) offsets(%dma_start3A_223 : memref<200xi32, #tpu.memory_space<vmem>>) semaphore(%dma_start3A_228 : memref<!tpu.dma_semaphore, #tpu.memory_space<semaphore_mem>>) {add = true}
    %mul3A_229 = arith.constant 25000 : i32
    %mul3A_230 = arith.muli %select_n3A_30, %mul3A_229 : i32
    %add3A_231 = arith.constant 200 : i32
    %add3A_232 = arith.addi %mul3A_230, %add3A_231 : i32
    %dma_start3A_233 = arith.constant 1 : i32
    %dma_start3A_234 = arith.constant 1 : i32
    %dma_start3A_235 = arith.constant 0 : i32
    %dma_start3A_236 = arith.constant 0 : i32
    %dma_start3A_237 = tpu.memref_slice %arg5[%dma_start3A_233, %dma_start3A_235, %dma_start3A_236] : memref<2x9x208xi32, #tpu.memory_space<vmem>> -> memref<1x9x200xi32, #tpu.memory_space<vmem>>
    %dma_start3A_238 = tpu.memref_squeeze %dma_start3A_237 : memref<1x9x200xi32, #tpu.memory_space<vmem>> -> memref<9x200xi32, #tpu.memory_space<vmem>>
    %dma_start3A_239 = arith.constant 0 : i32
    %dma_start3A_240 = tpu.memref_slice %arg2[%dma_start3A_239, %add3A_232] : memref<9x100000xi32, #tpu.memory_space<hbm>> -> memref<9x200xi32, #tpu.memory_space<hbm>>
    %dma_start3A_241 = tpu.memref_slice %arg8[%dma_start3A_234] : memref<2x!tpu.dma_semaphore, #tpu.memory_space<semaphore_mem>> -> memref<1x!tpu.dma_semaphore, #tpu.memory_space<semaphore_mem>>
    %dma_start3A_242 = tpu.memref_squeeze %dma_start3A_241 : memref<1x!tpu.dma_semaphore, #tpu.memory_space<semaphore_mem>> -> memref<!tpu.dma_semaphore, #tpu.memory_space<semaphore_mem>>
    %dma_start3A_243 = arith.constant 0 : i32
    %dma_start3A_244 = arith.constant 0 : i32
    %dma_start3A_245 = tpu.memref_slice %arg5[%dma_start3A_233, %dma_start3A_243, %dma_start3A_244] : memref<2x9x208xi32, #tpu.memory_space<vmem>> -> memref<1x9x200xi32, #tpu.memory_space<vmem>>
    %dma_start3A_246 = tpu.memref_squeeze %dma_start3A_245 : memref<1x9x200xi32, #tpu.memory_space<vmem>> -> memref<9x200xi32, #tpu.memory_space<vmem>>
    %dma_start3A_247 = arith.constant 0 : i32
    %dma_start3A_248 = tpu.memref_slice %arg2[%dma_start3A_247, %add3A_232] : memref<9x100000xi32, #tpu.memory_space<hbm>> -> memref<9x200xi32, #tpu.memory_space<hbm>>
    tpu.enqueue_dma source(%dma_start3A_248 : memref<9x200xi32, #tpu.memory_space<hbm>>) target(%dma_start3A_246 : memref<9x200xi32, #tpu.memory_space<vmem>>) target_semaphore(%dma_start3A_242 : memref<!tpu.dma_semaphore, #tpu.memory_space<semaphore_mem>>)
    %scan3A_249 = arith.constant 0 : i32
    %scan3A_250 = arith.constant 0 : i32
    %scan3A_251 = arith.constant 125 : i32
    %scan3A_252 = arith.addi %scan3A_250, %scan3A_251 : i32
    %scan3A_253 = arith.constant 1 : i32
    %scan3A_254 = scf.for %scan3A_296 = %scan3A_250 to %scan3A_252 step %scan3A_253 iter_args(%scan3A_297 = %scan3A_249) -> (i32)  : i32 {
      %rem3A_298 = arith.constant 2 : i32
      %rem3A_299 = arith.remsi %scan3A_296, %rem3A_298 : i32
      %lt3A_300 = arith.constant 124 : i32
      %lt3A_301 = arith.cmpi slt, %scan3A_296, %lt3A_300 : i32
      %convert_element_type3A = arith.extui %lt3A_301 : i1 to i32
      %cond3A = arith.constant 0 : i32
      %cond3A_302 = arith.cmpi ne, %convert_element_type3A, %cond3A : i32
      scf.if %cond3A_302 {
        %add3A_456 = arith.constant 1 : i32
        %add3A_457 = arith.addi %scan3A_296, %add3A_456 : i32
        %sub3A_458 = arith.constant 1 : i32
        %sub3A_459 = arith.subi %sub3A_458, %rem3A_299 : i32
        %mul3A_460 = arith.constant 25000 : i32
        %mul3A_461 = arith.muli %select_n3A_30, %mul3A_460 : i32
        %mul3A_462 = arith.constant 200 : i32
        %mul3A_463 = arith.muli %add3A_457, %mul3A_462 : i32
        %add3A_464 = arith.addi %mul3A_461, %mul3A_463 : i32
        %dma_wait3A_465 = arith.constant 0 : i32
        %dma_wait3A_466 = arith.constant 0 : i32
        %dma_wait3A_467 = tpu.memref_slice %arg5[%sub3A_459, %dma_wait3A_465, %dma_wait3A_466] : memref<2x9x208xi32, #tpu.memory_space<vmem>> -> memref<1x9x200xi32, #tpu.memory_space<vmem>>
        %dma_wait3A_468 = tpu.memref_squeeze %dma_wait3A_467 : memref<1x9x200xi32, #tpu.memory_space<vmem>> -> memref<9x200xi32, #tpu.memory_space<vmem>>
        %dma_wait3A_469 = arith.constant 0 : i32
        %dma_wait3A_470 = tpu.memref_slice %arg2[%dma_wait3A_469, %add3A_464] : memref<9x100000xi32, #tpu.memory_space<hbm>> -> memref<9x200xi32, #tpu.memory_space<hbm>>
        %dma_wait3A_471 = tpu.memref_slice %arg8[%sub3A_459] : memref<2x!tpu.dma_semaphore, #tpu.memory_space<semaphore_mem>> -> memref<1x!tpu.dma_semaphore, #tpu.memory_space<semaphore_mem>>
        %dma_wait3A_472 = tpu.memref_squeeze %dma_wait3A_471 : memref<1x!tpu.dma_semaphore, #tpu.memory_space<semaphore_mem>> -> memref<!tpu.dma_semaphore, #tpu.memory_space<semaphore_mem>>
        %dma_wait3A_473 = arith.constant 0 : i32
        %dma_wait3A_474 = arith.constant 0 : i32
        %dma_wait3A_475 = tpu.memref_slice %arg5[%sub3A_459, %dma_wait3A_473, %dma_wait3A_474] : memref<2x9x208xi32, #tpu.memory_space<vmem>> -> memref<1x9x200xi32, #tpu.memory_space<vmem>>
        %dma_wait3A_476 = tpu.memref_squeeze %dma_wait3A_475 : memref<1x9x200xi32, #tpu.memory_space<vmem>> -> memref<9x200xi32, #tpu.memory_space<vmem>>
        %dma_wait3A_477 = arith.constant 0 : i32
        %dma_wait3A_478 = tpu.memref_slice %arg2[%dma_wait3A_477, %add3A_464] : memref<9x100000xi32, #tpu.memory_space<hbm>> -> memref<9x200xi32, #tpu.memory_space<hbm>>
        tpu.wait_dma2 semaphore(%dma_wait3A_472 : memref<!tpu.dma_semaphore, #tpu.memory_space<semaphore_mem>>) src(%dma_wait3A_478 : memref<9x200xi32, #tpu.memory_space<hbm>>) dst(%dma_wait3A_476 : memref<9x200xi32, #tpu.memory_space<vmem>>)
        %sub3A_479 = arith.constant 1 : i32
        %sub3A_480 = arith.subi %sub3A_479, %rem3A_299 : i32
        %scan3A_481 = arith.constant 0 : i32
        %scan3A_482 = arith.constant 0 : i32
        %scan3A_483 = arith.constant 13 : i32
        %scan3A_484 = arith.addi %scan3A_482, %scan3A_483 : i32
        %scan3A_485 = arith.constant 1 : i32
        %scan3A_486 = scf.for %scan3A_607 = %scan3A_482 to %scan3A_484 step %scan3A_485 iter_args(%scan3A_608 = %scan3A_481) -> (i32)  : i32 {
          %mul3A_609 = arith.constant 16 : i32
          %mul3A_610 = arith.muli %scan3A_607, %mul3A_609 : i32
          %get3A = arith.constant 0 : i32
          %get3A_611 = arith.index_cast %sub3A_480 : i32 to index
          %get3A_612 = arith.index_cast %get3A : i32 to index
          %get3A_613 = arith.index_cast %mul3A_610 : i32 to index
          %get3A_614 = tpu.vector_load %arg5[%get3A_611, %get3A_612, %get3A_613] {strides = array<i32>} : memref<2x9x208xi32, #tpu.memory_space<vmem>>, vector<16xi32>,
          %add3A_615 = vector.broadcast %mul3A_32 : i32 to vector<16xi32>
          %add3A_616 = arith.addi %get3A_614, %add3A_615 : vector<16xi32>
          %mul3A_617 = arith.constant 16 : i32
          %mul3A_618 = arith.muli %scan3A_607, %mul3A_617 : i32
          %swap3A = arith.constant 0 : i32
          %swap3A_619 = arith.index_cast %sub3A_480 : i32 to index
          %swap3A_620 = arith.index_cast %swap3A : i32 to index
          %swap3A_621 = arith.index_cast %mul3A_618 : i32 to index
          %swap3A_622 = tpu.vector_load %arg5[%swap3A_619, %swap3A_620, %swap3A_621] {strides = array<i32>} : memref<2x9x208xi32, #tpu.memory_space<vmem>>, vector<16xi32>,
          tpu.vector_store %arg5[%swap3A_619, %swap3A_620, %swap3A_621], %add3A_616 {strides = array<i32>} : memref<2x9x208xi32, #tpu.memory_space<vmem>>, vector<16xi32>,
          %mul3A_623 = arith.constant 16 : i32
          %mul3A_624 = arith.muli %scan3A_607, %mul3A_623 : i32
          %get3A_625 = arith.constant 1 : i32
          %get3A_626 = arith.index_cast %sub3A_480 : i32 to index
          %get3A_627 = arith.index_cast %get3A_625 : i32 to index
          %get3A_628 = arith.index_cast %mul3A_624 : i32 to index
          %get3A_629 = tpu.vector_load %arg5[%get3A_626, %get3A_627, %get3A_628] {strides = array<i32>} : memref<2x9x208xi32, #tpu.memory_space<vmem>>, vector<16xi32>,
          %add3A_630 = vector.broadcast %mul3A_32 : i32 to vector<16xi32>
          %add3A_631 = arith.addi %get3A_629, %add3A_630 : vector<16xi32>
          %mul3A_632 = arith.constant 16 : i32
          %mul3A_633 = arith.muli %scan3A_607, %mul3A_632 : i32
          %swap3A_634 = arith.constant 1 : i32
          %swap3A_635 = arith.index_cast %sub3A_480 : i32 to index
          %swap3A_636 = arith.index_cast %swap3A_634 : i32 to index
          %swap3A_637 = arith.index_cast %mul3A_633 : i32 to index
          %swap3A_638 = tpu.vector_load %arg5[%swap3A_635, %swap3A_636, %swap3A_637] {strides = array<i32>} : memref<2x9x208xi32, #tpu.memory_space<vmem>>, vector<16xi32>,
          tpu.vector_store %arg5[%swap3A_635, %swap3A_636, %swap3A_637], %add3A_631 {strides = array<i32>} : memref<2x9x208xi32, #tpu.memory_space<vmem>>, vector<16xi32>,
          %mul3A_639 = arith.constant 16 : i32
          %mul3A_640 = arith.muli %scan3A_607, %mul3A_639 : i32
          %get3A_641 = arith.constant 2 : i32
          %get3A_642 = arith.index_cast %sub3A_480 : i32 to index
          %get3A_643 = arith.index_cast %get3A_641 : i32 to index
          %get3A_644 = arith.index_cast %mul3A_640 : i32 to index
          %get3A_645 = tpu.vector_load %arg5[%get3A_642, %get3A_643, %get3A_644] {strides = array<i32>} : memref<2x9x208xi32, #tpu.memory_space<vmem>>, vector<16xi32>,
          %add3A_646 = vector.broadcast %mul3A_32 : i32 to vector<16xi32>
          %add3A_647 = arith.addi %get3A_645, %add3A_646 : vector<16xi32>
          %mul3A_648 = arith.constant 16 : i32
          %mul3A_649 = arith.muli %scan3A_607, %mul3A_648 : i32
          %swap3A_650 = arith.constant 2 : i32
          %swap3A_651 = arith.index_cast %sub3A_480 : i32 to index
          %swap3A_652 = arith.index_cast %swap3A_650 : i32 to index
          %swap3A_653 = arith.index_cast %mul3A_649 : i32 to index
          %swap3A_654 = tpu.vector_load %arg5[%swap3A_651, %swap3A_652, %swap3A_653] {strides = array<i32>} : memref<2x9x208xi32, #tpu.memory_space<vmem>>, vector<16xi32>,
          tpu.vector_store %arg5[%swap3A_651, %swap3A_652, %swap3A_653], %add3A_647 {strides = array<i32>} : memref<2x9x208xi32, #tpu.memory_space<vmem>>, vector<16xi32>,
          %mul3A_655 = arith.constant 16 : i32
          %mul3A_656 = arith.muli %scan3A_607, %mul3A_655 : i32
          %get3A_657 = arith.constant 3 : i32
          %get3A_658 = arith.index_cast %sub3A_480 : i32 to index
          %get3A_659 = arith.index_cast %get3A_657 : i32 to index
          %get3A_660 = arith.index_cast %mul3A_656 : i32 to index
          %get3A_661 = tpu.vector_load %arg5[%get3A_658, %get3A_659, %get3A_660] {strides = array<i32>} : memref<2x9x208xi32, #tpu.memory_space<vmem>>, vector<16xi32>,
          %add3A_662 = vector.broadcast %mul3A_32 : i32 to vector<16xi32>
          %add3A_663 = arith.addi %get3A_661, %add3A_662 : vector<16xi32>
          %mul3A_664 = arith.constant 16 : i32
          %mul3A_665 = arith.muli %scan3A_607, %mul3A_664 : i32
          %swap3A_666 = arith.constant 3 : i32
          %swap3A_667 = arith.index_cast %sub3A_480 : i32 to index
          %swap3A_668 = arith.index_cast %swap3A_666 : i32 to index
          %swap3A_669 = arith.index_cast %mul3A_665 : i32 to index
          %swap3A_670 = tpu.vector_load %arg5[%swap3A_667, %swap3A_668, %swap3A_669] {strides = array<i32>} : memref<2x9x208xi32, #tpu.memory_space<vmem>>, vector<16xi32>,
          tpu.vector_store %arg5[%swap3A_667, %swap3A_668, %swap3A_669], %add3A_663 {strides = array<i32>} : memref<2x9x208xi32, #tpu.memory_space<vmem>>, vector<16xi32>,
          %mul3A_671 = arith.constant 16 : i32
          %mul3A_672 = arith.muli %scan3A_607, %mul3A_671 : i32
          %get3A_673 = arith.constant 4 : i32
          %get3A_674 = arith.index_cast %sub3A_480 : i32 to index
          %get3A_675 = arith.index_cast %get3A_673 : i32 to index
          %get3A_676 = arith.index_cast %mul3A_672 : i32 to index
          %get3A_677 = tpu.vector_load %arg5[%get3A_674, %get3A_675, %get3A_676] {strides = array<i32>} : memref<2x9x208xi32, #tpu.memory_space<vmem>>, vector<16xi32>,
          %add3A_678 = vector.broadcast %mul3A_32 : i32 to vector<16xi32>
          %add3A_679 = arith.addi %get3A_677, %add3A_678 : vector<16xi32>
          %mul3A_680 = arith.constant 16 : i32
          %mul3A_681 = arith.muli %scan3A_607, %mul3A_680 : i32
          %swap3A_682 = arith.constant 4 : i32
          %swap3A_683 = arith.index_cast %sub3A_480 : i32 to index
          %swap3A_684 = arith.index_cast %swap3A_682 : i32 to index
          %swap3A_685 = arith.index_cast %mul3A_681 : i32 to index
          %swap3A_686 = tpu.vector_load %arg5[%swap3A_683, %swap3A_684, %swap3A_685] {strides = array<i32>} : memref<2x9x208xi32, #tpu.memory_space<vmem>>, vector<16xi32>,
          tpu.vector_store %arg5[%swap3A_683, %swap3A_684, %swap3A_685], %add3A_679 {strides = array<i32>} : memref<2x9x208xi32, #tpu.memory_space<vmem>>, vector<16xi32>,
          %mul3A_687 = arith.constant 16 : i32
          %mul3A_688 = arith.muli %scan3A_607, %mul3A_687 : i32
          %get3A_689 = arith.constant 5 : i32
          %get3A_690 = arith.index_cast %sub3A_480 : i32 to index
          %get3A_691 = arith.index_cast %get3A_689 : i32 to index
          %get3A_692 = arith.index_cast %mul3A_688 : i32 to index
          %get3A_693 = tpu.vector_load %arg5[%get3A_690, %get3A_691, %get3A_692] {strides = array<i32>} : memref<2x9x208xi32, #tpu.memory_space<vmem>>, vector<16xi32>,
          %add3A_694 = vector.broadcast %mul3A_32 : i32 to vector<16xi32>
          %add3A_695 = arith.addi %get3A_693, %add3A_694 : vector<16xi32>
          %mul3A_696 = arith.constant 16 : i32
          %mul3A_697 = arith.muli %scan3A_607, %mul3A_696 : i32
          %swap3A_698 = arith.constant 5 : i32
          %swap3A_699 = arith.index_cast %sub3A_480 : i32 to index
          %swap3A_700 = arith.index_cast %swap3A_698 : i32 to index
          %swap3A_701 = arith.index_cast %mul3A_697 : i32 to index
          %swap3A_702 = tpu.vector_load %arg5[%swap3A_699, %swap3A_700, %swap3A_701] {strides = array<i32>} : memref<2x9x208xi32, #tpu.memory_space<vmem>>, vector<16xi32>,
          tpu.vector_store %arg5[%swap3A_699, %swap3A_700, %swap3A_701], %add3A_695 {strides = array<i32>} : memref<2x9x208xi32, #tpu.memory_space<vmem>>, vector<16xi32>,
          %mul3A_703 = arith.constant 16 : i32
          %mul3A_704 = arith.muli %scan3A_607, %mul3A_703 : i32
          %get3A_705 = arith.constant 6 : i32
          %get3A_706 = arith.index_cast %sub3A_480 : i32 to index
          %get3A_707 = arith.index_cast %get3A_705 : i32 to index
          %get3A_708 = arith.index_cast %mul3A_704 : i32 to index
          %get3A_709 = tpu.vector_load %arg5[%get3A_706, %get3A_707, %get3A_708] {strides = array<i32>} : memref<2x9x208xi32, #tpu.memory_space<vmem>>, vector<16xi32>,
          %add3A_710 = vector.broadcast %mul3A_32 : i32 to vector<16xi32>
          %add3A_711 = arith.addi %get3A_709, %add3A_710 : vector<16xi32>
          %mul3A_712 = arith.constant 16 : i32
          %mul3A_713 = arith.muli %scan3A_607, %mul3A_712 : i32
          %swap3A_714 = arith.constant 6 : i32
          %swap3A_715 = arith.index_cast %sub3A_480 : i32 to index
          %swap3A_716 = arith.index_cast %swap3A_714 : i32 to index
          %swap3A_717 = arith.index_cast %mul3A_713 : i32 to index
          %swap3A_718 = tpu.vector_load %arg5[%swap3A_715, %swap3A_716, %swap3A_717] {strides = array<i32>} : memref<2x9x208xi32, #tpu.memory_space<vmem>>, vector<16xi32>,
          tpu.vector_store %arg5[%swap3A_715, %swap3A_716, %swap3A_717], %add3A_711 {strides = array<i32>} : memref<2x9x208xi32, #tpu.memory_space<vmem>>, vector<16xi32>,
          %mul3A_719 = arith.constant 16 : i32
          %mul3A_720 = arith.muli %scan3A_607, %mul3A_719 : i32
          %get3A_721 = arith.constant 7 : i32
          %get3A_722 = arith.index_cast %sub3A_480 : i32 to index
          %get3A_723 = arith.index_cast %get3A_721 : i32 to index
          %get3A_724 = arith.index_cast %mul3A_720 : i32 to index
          %get3A_725 = tpu.vector_load %arg5[%get3A_722, %get3A_723, %get3A_724] {strides = array<i32>} : memref<2x9x208xi32, #tpu.memory_space<vmem>>, vector<16xi32>,
          %add3A_726 = vector.broadcast %mul3A_32 : i32 to vector<16xi32>
          %add3A_727 = arith.addi %get3A_725, %add3A_726 : vector<16xi32>
          %mul3A_728 = arith.constant 16 : i32
          %mul3A_729 = arith.muli %scan3A_607, %mul3A_728 : i32
          %swap3A_730 = arith.constant 7 : i32
          %swap3A_731 = arith.index_cast %sub3A_480 : i32 to index
          %swap3A_732 = arith.index_cast %swap3A_730 : i32 to index
          %swap3A_733 = arith.index_cast %mul3A_729 : i32 to index
          %swap3A_734 = tpu.vector_load %arg5[%swap3A_731, %swap3A_732, %swap3A_733] {strides = array<i32>} : memref<2x9x208xi32, #tpu.memory_space<vmem>>, vector<16xi32>,
          tpu.vector_store %arg5[%swap3A_731, %swap3A_732, %swap3A_733], %add3A_727 {strides = array<i32>} : memref<2x9x208xi32, #tpu.memory_space<vmem>>, vector<16xi32>,
          %mul3A_735 = arith.constant 16 : i32
          %mul3A_736 = arith.muli %scan3A_607, %mul3A_735 : i32
          %get3A_737 = arith.constant 8 : i32
          %get3A_738 = arith.index_cast %sub3A_480 : i32 to index
          %get3A_739 = arith.index_cast %get3A_737 : i32 to index
          %get3A_740 = arith.index_cast %mul3A_736 : i32 to index
          %get3A_741 = tpu.vector_load %arg5[%get3A_738, %get3A_739, %get3A_740] {strides = array<i32>} : memref<2x9x208xi32, #tpu.memory_space<vmem>>, vector<16xi32>,
          %add3A_742 = vector.broadcast %mul3A_32 : i32 to vector<16xi32>
          %add3A_743 = arith.addi %get3A_741, %add3A_742 : vector<16xi32>
          %mul3A_744 = arith.constant 16 : i32
          %mul3A_745 = arith.muli %scan3A_607, %mul3A_744 : i32
          %swap3A_746 = arith.constant 8 : i32
          %swap3A_747 = arith.index_cast %sub3A_480 : i32 to index
          %swap3A_748 = arith.index_cast %swap3A_746 : i32 to index
          %swap3A_749 = arith.index_cast %mul3A_745 : i32 to index
          %swap3A_750 = tpu.vector_load %arg5[%swap3A_747, %swap3A_748, %swap3A_749] {strides = array<i32>} : memref<2x9x208xi32, #tpu.memory_space<vmem>>, vector<16xi32>,
          tpu.vector_store %arg5[%swap3A_747, %swap3A_748, %swap3A_749], %add3A_743 {strides = array<i32>} : memref<2x9x208xi32, #tpu.memory_space<vmem>>, vector<16xi32>,
          %scan3A_751 = arith.constant 0 : i32
          scf.yield %scan3A_751 : i32
        }
        %scan3A_487 = arith.constant 13 : i32
        %sub3A_488 = arith.constant 1 : i32
        %sub3A_489 = arith.subi %sub3A_488, %rem3A_299 : i32
        %dma_start3A_490 = arith.constant 0 : i32
        %dma_start3A_491 = arith.constant 0 : i32
        %dma_start3A_492 = arith.constant 0 : i32
        %dma_start3A_493 = tpu.memref_slice %arg6[%sub3A_489, %dma_start3A_491, %dma_start3A_492] : memref<2x200x64xbf16, #tpu.memory_space<vmem>> -> memref<1x200x64xbf16, #tpu.memory_space<vmem>>
        %dma_start3A_494 = tpu.memref_squeeze %dma_start3A_493 : memref<1x200x64xbf16, #tpu.memory_space<vmem>> -> memref<200x64xbf16, #tpu.memory_space<vmem>>
        %dma_start3A_495 = arith.constant 0 : i32
        %dma_start3A_496 = tpu.memref_slice %arg5[%sub3A_489, %dma_start3A_490, %dma_start3A_495] : memref<2x9x208xi32, #tpu.memory_space<vmem>> -> memref<1x1x200xi32, #tpu.memory_space<vmem>>
        %dma_start3A_497 = tpu.memref_squeeze %dma_start3A_496 : memref<1x1x200xi32, #tpu.memory_space<vmem>> -> memref<200xi32, #tpu.memory_space<vmem>>
        %dma_start3A_498 = arith.constant 0 : i32
        %dma_start3A_499 = arith.constant 0 : i32
        %dma_start3A_500 = tpu.memref_slice %arg3[%dma_start3A_498, %dma_start3A_499] : memref<7200x64xbf16, #tpu.memory_space<hbm>> -> memref<7200x64xbf16, #tpu.memory_space<hbm>>
        %dma_start3A_501 = tpu.memref_slice %arg9[%sub3A_489] : memref<2x!tpu.dma_semaphore, #tpu.memory_space<semaphore_mem>> -> memref<1x!tpu.dma_semaphore, #tpu.memory_space<semaphore_mem>>
        %dma_start3A_502 = tpu.memref_squeeze %dma_start3A_501 : memref<1x!tpu.dma_semaphore, #tpu.memory_space<semaphore_mem>> -> memref<!tpu.dma_semaphore, #tpu.memory_space<semaphore_mem>>
        tpu.enqueue_indirect_dma source(%dma_start3A_500 : memref<7200x64xbf16, #tpu.memory_space<hbm>>) target(%dma_start3A_494 : memref<200x64xbf16, #tpu.memory_space<vmem>>) offsets(%dma_start3A_497 : memref<200xi32, #tpu.memory_space<vmem>>) semaphore(%dma_start3A_502 : memref<!tpu.dma_semaphore, #tpu.memory_space<semaphore_mem>>) {add = true}
        %dma_start3A_503 = arith.constant 1 : i32
        %dma_start3A_504 = arith.constant 0 : i32
        %dma_start3A_505 = arith.constant 0 : i32
        %dma_start3A_506 = tpu.memref_slice %arg6[%sub3A_489, %dma_start3A_504, %dma_start3A_505] : memref<2x200x64xbf16, #tpu.memory_space<vmem>> -> memref<1x200x64xbf16, #tpu.memory_space<vmem>>
        %dma_start3A_507 = tpu.memref_squeeze %dma_start3A_506 : memref<1x200x64xbf16, #tpu.memory_space<vmem>> -> memref<200x64xbf16, #tpu.memory_space<vmem>>
        %dma_start3A_508 = arith.constant 0 : i32
        %dma_start3A_509 = tpu.memref_slice %arg5[%sub3A_489, %dma_start3A_503, %dma_start3A_508] : memref<2x9x208xi32, #tpu.memory_space<vmem>> -> memref<1x1x200xi32, #tpu.memory_space<vmem>>
        %dma_start3A_510 = tpu.memref_squeeze %dma_start3A_509 : memref<1x1x200xi32, #tpu.memory_space<vmem>> -> memref<200xi32, #tpu.memory_space<vmem>>
        %dma_start3A_511 = arith.constant 0 : i32
        %dma_start3A_512 = arith.constant 0 : i32
        %dma_start3A_513 = tpu.memref_slice %arg3[%dma_start3A_511, %dma_start3A_512] : memref<7200x64xbf16, #tpu.memory_space<hbm>> -> memref<7200x64xbf16, #tpu.memory_space<hbm>>
        %dma_start3A_514 = tpu.memref_slice %arg9[%sub3A_489] : memref<2x!tpu.dma_semaphore, #tpu.memory_space<semaphore_mem>> -> memref<1x!tpu.dma_semaphore, #tpu.memory_space<semaphore_mem>>
        %dma_start3A_515 = tpu.memref_squeeze %dma_start3A_514 : memref<1x!tpu.dma_semaphore, #tpu.memory_space<semaphore_mem>> -> memref<!tpu.dma_semaphore, #tpu.memory_space<semaphore_mem>>
        tpu.enqueue_indirect_dma source(%dma_start3A_513 : memref<7200x64xbf16, #tpu.memory_space<hbm>>) target(%dma_start3A_507 : memref<200x64xbf16, #tpu.memory_space<vmem>>) offsets(%dma_start3A_510 : memref<200xi32, #tpu.memory_space<vmem>>) semaphore(%dma_start3A_515 : memref<!tpu.dma_semaphore, #tpu.memory_space<semaphore_mem>>) {add = true}
        %dma_start3A_516 = arith.constant 2 : i32
        %dma_start3A_517 = arith.constant 0 : i32
        %dma_start3A_518 = arith.constant 0 : i32
        %dma_start3A_519 = tpu.memref_slice %arg6[%sub3A_489, %dma_start3A_517, %dma_start3A_518] : memref<2x200x64xbf16, #tpu.memory_space<vmem>> -> memref<1x200x64xbf16, #tpu.memory_space<vmem>>
        %dma_start3A_520 = tpu.memref_squeeze %dma_start3A_519 : memref<1x200x64xbf16, #tpu.memory_space<vmem>> -> memref<200x64xbf16, #tpu.memory_space<vmem>>
        %dma_start3A_521 = arith.constant 0 : i32
        %dma_start3A_522 = tpu.memref_slice %arg5[%sub3A_489, %dma_start3A_516, %dma_start3A_521] : memref<2x9x208xi32, #tpu.memory_space<vmem>> -> memref<1x1x200xi32, #tpu.memory_space<vmem>>
        %dma_start3A_523 = tpu.memref_squeeze %dma_start3A_522 : memref<1x1x200xi32, #tpu.memory_space<vmem>> -> memref<200xi32, #tpu.memory_space<vmem>>
        %dma_start3A_524 = arith.constant 0 : i32
        %dma_start3A_525 = arith.constant 0 : i32
        %dma_start3A_526 = tpu.memref_slice %arg3[%dma_start3A_524, %dma_start3A_525] : memref<7200x64xbf16, #tpu.memory_space<hbm>> -> memref<7200x64xbf16, #tpu.memory_space<hbm>>
        %dma_start3A_527 = tpu.memref_slice %arg9[%sub3A_489] : memref<2x!tpu.dma_semaphore, #tpu.memory_space<semaphore_mem>> -> memref<1x!tpu.dma_semaphore, #tpu.memory_space<semaphore_mem>>
        %dma_start3A_528 = tpu.memref_squeeze %dma_start3A_527 : memref<1x!tpu.dma_semaphore, #tpu.memory_space<semaphore_mem>> -> memref<!tpu.dma_semaphore, #tpu.memory_space<semaphore_mem>>
        tpu.enqueue_indirect_dma source(%dma_start3A_526 : memref<7200x64xbf16, #tpu.memory_space<hbm>>) target(%dma_start3A_520 : memref<200x64xbf16, #tpu.memory_space<vmem>>) offsets(%dma_start3A_523 : memref<200xi32, #tpu.memory_space<vmem>>) semaphore(%dma_start3A_528 : memref<!tpu.dma_semaphore, #tpu.memory_space<semaphore_mem>>) {add = true}
        %dma_start3A_529 = arith.constant 3 : i32
        %dma_start3A_530 = arith.constant 0 : i32
        %dma_start3A_531 = arith.constant 0 : i32
        %dma_start3A_532 = tpu.memref_slice %arg6[%sub3A_489, %dma_start3A_530, %dma_start3A_531] : memref<2x200x64xbf16, #tpu.memory_space<vmem>> -> memref<1x200x64xbf16, #tpu.memory_space<vmem>>
        %dma_start3A_533 = tpu.memref_squeeze %dma_start3A_532 : memref<1x200x64xbf16, #tpu.memory_space<vmem>> -> memref<200x64xbf16, #tpu.memory_space<vmem>>
        %dma_start3A_534 = arith.constant 0 : i32
        %dma_start3A_535 = tpu.memref_slice %arg5[%sub3A_489, %dma_start3A_529, %dma_start3A_534] : memref<2x9x208xi32, #tpu.memory_space<vmem>> -> memref<1x1x200xi32, #tpu.memory_space<vmem>>
        %dma_start3A_536 = tpu.memref_squeeze %dma_start3A_535 : memref<1x1x200xi32, #tpu.memory_space<vmem>> -> memref<200xi32, #tpu.memory_space<vmem>>
        %dma_start3A_537 = arith.constant 0 : i32
        %dma_start3A_538 = arith.constant 0 : i32
        %dma_start3A_539 = tpu.memref_slice %arg3[%dma_start3A_537, %dma_start3A_538] : memref<7200x64xbf16, #tpu.memory_space<hbm>> -> memref<7200x64xbf16, #tpu.memory_space<hbm>>
        %dma_start3A_540 = tpu.memref_slice %arg9[%sub3A_489] : memref<2x!tpu.dma_semaphore, #tpu.memory_space<semaphore_mem>> -> memref<1x!tpu.dma_semaphore, #tpu.memory_space<semaphore_mem>>
        %dma_start3A_541 = tpu.memref_squeeze %dma_start3A_540 : memref<1x!tpu.dma_semaphore, #tpu.memory_space<semaphore_mem>> -> memref<!tpu.dma_semaphore, #tpu.memory_space<semaphore_mem>>
        tpu.enqueue_indirect_dma source(%dma_start3A_539 : memref<7200x64xbf16, #tpu.memory_space<hbm>>) target(%dma_start3A_533 : memref<200x64xbf16, #tpu.memory_space<vmem>>) offsets(%dma_start3A_536 : memref<200xi32, #tpu.memory_space<vmem>>) semaphore(%dma_start3A_541 : memref<!tpu.dma_semaphore, #tpu.memory_space<semaphore_mem>>) {add = true}
        %dma_start3A_542 = arith.constant 4 : i32
        %dma_start3A_543 = arith.constant 0 : i32
        %dma_start3A_544 = arith.constant 0 : i32
        %dma_start3A_545 = tpu.memref_slice %arg6[%sub3A_489, %dma_start3A_543, %dma_start3A_544] : memref<2x200x64xbf16, #tpu.memory_space<vmem>> -> memref<1x200x64xbf16, #tpu.memory_space<vmem>>
        %dma_start3A_546 = tpu.memref_squeeze %dma_start3A_545 : memref<1x200x64xbf16, #tpu.memory_space<vmem>> -> memref<200x64xbf16, #tpu.memory_space<vmem>>
        %dma_start3A_547 = arith.constant 0 : i32
        %dma_start3A_548 = tpu.memref_slice %arg5[%sub3A_489, %dma_start3A_542, %dma_start3A_547] : memref<2x9x208xi32, #tpu.memory_space<vmem>> -> memref<1x1x200xi32, #tpu.memory_space<vmem>>
        %dma_start3A_549 = tpu.memref_squeeze %dma_start3A_548 : memref<1x1x200xi32, #tpu.memory_space<vmem>> -> memref<200xi32, #tpu.memory_space<vmem>>
        %dma_start3A_550 = arith.constant 0 : i32
        %dma_start3A_551 = arith.constant 0 : i32
        %dma_start3A_552 = tpu.memref_slice %arg3[%dma_start3A_550, %dma_start3A_551] : memref<7200x64xbf16, #tpu.memory_space<hbm>> -> memref<7200x64xbf16, #tpu.memory_space<hbm>>
        %dma_start3A_553 = tpu.memref_slice %arg9[%sub3A_489] : memref<2x!tpu.dma_semaphore, #tpu.memory_space<semaphore_mem>> -> memref<1x!tpu.dma_semaphore, #tpu.memory_space<semaphore_mem>>
        %dma_start3A_554 = tpu.memref_squeeze %dma_start3A_553 : memref<1x!tpu.dma_semaphore, #tpu.memory_space<semaphore_mem>> -> memref<!tpu.dma_semaphore, #tpu.memory_space<semaphore_mem>>
        tpu.enqueue_indirect_dma source(%dma_start3A_552 : memref<7200x64xbf16, #tpu.memory_space<hbm>>) target(%dma_start3A_546 : memref<200x64xbf16, #tpu.memory_space<vmem>>) offsets(%dma_start3A_549 : memref<200xi32, #tpu.memory_space<vmem>>) semaphore(%dma_start3A_554 : memref<!tpu.dma_semaphore, #tpu.memory_space<semaphore_mem>>) {add = true}
        %dma_start3A_555 = arith.constant 5 : i32
        %dma_start3A_556 = arith.constant 0 : i32
        %dma_start3A_557 = arith.constant 0 : i32
        %dma_start3A_558 = tpu.memref_slice %arg6[%sub3A_489, %dma_start3A_556, %dma_start3A_557] : memref<2x200x64xbf16, #tpu.memory_space<vmem>> -> memref<1x200x64xbf16, #tpu.memory_space<vmem>>
        %dma_start3A_559 = tpu.memref_squeeze %dma_start3A_558 : memref<1x200x64xbf16, #tpu.memory_space<vmem>> -> memref<200x64xbf16, #tpu.memory_space<vmem>>
        %dma_start3A_560 = arith.constant 0 : i32
        %dma_start3A_561 = tpu.memref_slice %arg5[%sub3A_489, %dma_start3A_555, %dma_start3A_560] : memref<2x9x208xi32, #tpu.memory_space<vmem>> -> memref<1x1x200xi32, #tpu.memory_space<vmem>>
        %dma_start3A_562 = tpu.memref_squeeze %dma_start3A_561 : memref<1x1x200xi32, #tpu.memory_space<vmem>> -> memref<200xi32, #tpu.memory_space<vmem>>
        %dma_start3A_563 = arith.constant 0 : i32
        %dma_start3A_564 = arith.constant 0 : i32
        %dma_start3A_565 = tpu.memref_slice %arg3[%dma_start3A_563, %dma_start3A_564] : memref<7200x64xbf16, #tpu.memory_space<hbm>> -> memref<7200x64xbf16, #tpu.memory_space<hbm>>
        %dma_start3A_566 = tpu.memref_slice %arg9[%sub3A_489] : memref<2x!tpu.dma_semaphore, #tpu.memory_space<semaphore_mem>> -> memref<1x!tpu.dma_semaphore, #tpu.memory_space<semaphore_mem>>
        %dma_start3A_567 = tpu.memref_squeeze %dma_start3A_566 : memref<1x!tpu.dma_semaphore, #tpu.memory_space<semaphore_mem>> -> memref<!tpu.dma_semaphore, #tpu.memory_space<semaphore_mem>>
        tpu.enqueue_indirect_dma source(%dma_start3A_565 : memref<7200x64xbf16, #tpu.memory_space<hbm>>) target(%dma_start3A_559 : memref<200x64xbf16, #tpu.memory_space<vmem>>) offsets(%dma_start3A_562 : memref<200xi32, #tpu.memory_space<vmem>>) semaphore(%dma_start3A_567 : memref<!tpu.dma_semaphore, #tpu.memory_space<semaphore_mem>>) {add = true}
        %dma_start3A_568 = arith.constant 6 : i32
        %dma_start3A_569 = arith.constant 0 : i32
        %dma_start3A_570 = arith.constant 0 : i32
        %dma_start3A_571 = tpu.memref_slice %arg6[%sub3A_489, %dma_start3A_569, %dma_start3A_570] : memref<2x200x64xbf16, #tpu.memory_space<vmem>> -> memref<1x200x64xbf16, #tpu.memory_space<vmem>>
        %dma_start3A_572 = tpu.memref_squeeze %dma_start3A_571 : memref<1x200x64xbf16, #tpu.memory_space<vmem>> -> memref<200x64xbf16, #tpu.memory_space<vmem>>
        %dma_start3A_573 = arith.constant 0 : i32
        %dma_start3A_574 = tpu.memref_slice %arg5[%sub3A_489, %dma_start3A_568, %dma_start3A_573] : memref<2x9x208xi32, #tpu.memory_space<vmem>> -> memref<1x1x200xi32, #tpu.memory_space<vmem>>
        %dma_start3A_575 = tpu.memref_squeeze %dma_start3A_574 : memref<1x1x200xi32, #tpu.memory_space<vmem>> -> memref<200xi32, #tpu.memory_space<vmem>>
        %dma_start3A_576 = arith.constant 0 : i32
        %dma_start3A_577 = arith.constant 0 : i32
        %dma_start3A_578 = tpu.memref_slice %arg3[%dma_start3A_576, %dma_start3A_577] : memref<7200x64xbf16, #tpu.memory_space<hbm>> -> memref<7200x64xbf16, #tpu.memory_space<hbm>>
        %dma_start3A_579 = tpu.memref_slice %arg9[%sub3A_489] : memref<2x!tpu.dma_semaphore, #tpu.memory_space<semaphore_mem>> -> memref<1x!tpu.dma_semaphore, #tpu.memory_space<semaphore_mem>>
        %dma_start3A_580 = tpu.memref_squeeze %dma_start3A_579 : memref<1x!tpu.dma_semaphore, #tpu.memory_space<semaphore_mem>> -> memref<!tpu.dma_semaphore, #tpu.memory_space<semaphore_mem>>
        tpu.enqueue_indirect_dma source(%dma_start3A_578 : memref<7200x64xbf16, #tpu.memory_space<hbm>>) target(%dma_start3A_572 : memref<200x64xbf16, #tpu.memory_space<vmem>>) offsets(%dma_start3A_575 : memref<200xi32, #tpu.memory_space<vmem>>) semaphore(%dma_start3A_580 : memref<!tpu.dma_semaphore, #tpu.memory_space<semaphore_mem>>) {add = true}
        %dma_start3A_581 = arith.constant 7 : i32
        %dma_start3A_582 = arith.constant 0 : i32
        %dma_start3A_583 = arith.constant 0 : i32
        %dma_start3A_584 = tpu.memref_slice %arg6[%sub3A_489, %dma_start3A_582, %dma_start3A_583] : memref<2x200x64xbf16, #tpu.memory_space<vmem>> -> memref<1x200x64xbf16, #tpu.memory_space<vmem>>
        %dma_start3A_585 = tpu.memref_squeeze %dma_start3A_584 : memref<1x200x64xbf16, #tpu.memory_space<vmem>> -> memref<200x64xbf16, #tpu.memory_space<vmem>>
        %dma_start3A_586 = arith.constant 0 : i32
        %dma_start3A_587 = tpu.memref_slice %arg5[%sub3A_489, %dma_start3A_581, %dma_start3A_586] : memref<2x9x208xi32, #tpu.memory_space<vmem>> -> memref<1x1x200xi32, #tpu.memory_space<vmem>>
        %dma_start3A_588 = tpu.memref_squeeze %dma_start3A_587 : memref<1x1x200xi32, #tpu.memory_space<vmem>> -> memref<200xi32, #tpu.memory_space<vmem>>
        %dma_start3A_589 = arith.constant 0 : i32
        %dma_start3A_590 = arith.constant 0 : i32
        %dma_start3A_591 = tpu.memref_slice %arg3[%dma_start3A_589, %dma_start3A_590] : memref<7200x64xbf16, #tpu.memory_space<hbm>> -> memref<7200x64xbf16, #tpu.memory_space<hbm>>
        %dma_start3A_592 = tpu.memref_slice %arg9[%sub3A_489] : memref<2x!tpu.dma_semaphore, #tpu.memory_space<semaphore_mem>> -> memref<1x!tpu.dma_semaphore, #tpu.memory_space<semaphore_mem>>
        %dma_start3A_593 = tpu.memref_squeeze %dma_start3A_592 : memref<1x!tpu.dma_semaphore, #tpu.memory_space<semaphore_mem>> -> memref<!tpu.dma_semaphore, #tpu.memory_space<semaphore_mem>>
        tpu.enqueue_indirect_dma source(%dma_start3A_591 : memref<7200x64xbf16, #tpu.memory_space<hbm>>) target(%dma_start3A_585 : memref<200x64xbf16, #tpu.memory_space<vmem>>) offsets(%dma_start3A_588 : memref<200xi32, #tpu.memory_space<vmem>>) semaphore(%dma_start3A_593 : memref<!tpu.dma_semaphore, #tpu.memory_space<semaphore_mem>>) {add = true}
        %dma_start3A_594 = arith.constant 8 : i32
        %dma_start3A_595 = arith.constant 0 : i32
        %dma_start3A_596 = arith.constant 0 : i32
        %dma_start3A_597 = tpu.memref_slice %arg6[%sub3A_489, %dma_start3A_595, %dma_start3A_596] : memref<2x200x64xbf16, #tpu.memory_space<vmem>> -> memref<1x200x64xbf16, #tpu.memory_space<vmem>>
        %dma_start3A_598 = tpu.memref_squeeze %dma_start3A_597 : memref<1x200x64xbf16, #tpu.memory_space<vmem>> -> memref<200x64xbf16, #tpu.memory_space<vmem>>
        %dma_start3A_599 = arith.constant 0 : i32
        %dma_start3A_600 = tpu.memref_slice %arg5[%sub3A_489, %dma_start3A_594, %dma_start3A_599] : memref<2x9x208xi32, #tpu.memory_space<vmem>> -> memref<1x1x200xi32, #tpu.memory_space<vmem>>
        %dma_start3A_601 = tpu.memref_squeeze %dma_start3A_600 : memref<1x1x200xi32, #tpu.memory_space<vmem>> -> memref<200xi32, #tpu.memory_space<vmem>>
        %dma_start3A_602 = arith.constant 0 : i32
        %dma_start3A_603 = arith.constant 0 : i32
        %dma_start3A_604 = tpu.memref_slice %arg3[%dma_start3A_602, %dma_start3A_603] : memref<7200x64xbf16, #tpu.memory_space<hbm>> -> memref<7200x64xbf16, #tpu.memory_space<hbm>>
        %dma_start3A_605 = tpu.memref_slice %arg9[%sub3A_489] : memref<2x!tpu.dma_semaphore, #tpu.memory_space<semaphore_mem>> -> memref<1x!tpu.dma_semaphore, #tpu.memory_space<semaphore_mem>>
        %dma_start3A_606 = tpu.memref_squeeze %dma_start3A_605 : memref<1x!tpu.dma_semaphore, #tpu.memory_space<semaphore_mem>> -> memref<!tpu.dma_semaphore, #tpu.memory_space<semaphore_mem>>
        tpu.enqueue_indirect_dma source(%dma_start3A_604 : memref<7200x64xbf16, #tpu.memory_space<hbm>>) target(%dma_start3A_598 : memref<200x64xbf16, #tpu.memory_space<vmem>>) offsets(%dma_start3A_601 : memref<200xi32, #tpu.memory_space<vmem>>) semaphore(%dma_start3A_606 : memref<!tpu.dma_semaphore, #tpu.memory_space<semaphore_mem>>) {add = true}
      } else {
      }
      %dma_wait3A_303 = arith.constant 0 : i32
      %dma_wait3A_304 = arith.constant 0 : i32
      %dma_wait3A_305 = arith.constant 0 : i32
      %dma_wait3A_306 = tpu.memref_slice %arg6[%rem3A_299, %dma_wait3A_304, %dma_wait3A_305] : memref<2x200x64xbf16, #tpu.memory_space<vmem>> -> memref<1x200x64xbf16, #tpu.memory_space<vmem>>
      %dma_wait3A_307 = tpu.memref_squeeze %dma_wait3A_306 : memref<1x200x64xbf16, #tpu.memory_space<vmem>> -> memref<200x64xbf16, #tpu.memory_space<vmem>>
      %dma_wait3A_308 = arith.constant 0 : i32
      %dma_wait3A_309 = tpu.memref_slice %arg5[%rem3A_299, %dma_wait3A_303, %dma_wait3A_308] : memref<2x9x208xi32, #tpu.memory_space<vmem>> -> memref<1x1x200xi32, #tpu.memory_space<vmem>>
      %dma_wait3A_310 = tpu.memref_squeeze %dma_wait3A_309 : memref<1x1x200xi32, #tpu.memory_space<vmem>> -> memref<200xi32, #tpu.memory_space<vmem>>
      %dma_wait3A_311 = arith.constant 0 : i32
      %dma_wait3A_312 = arith.constant 0 : i32
      %dma_wait3A_313 = tpu.memref_slice %arg3[%dma_wait3A_311, %dma_wait3A_312] : memref<7200x64xbf16, #tpu.memory_space<hbm>> -> memref<7200x64xbf16, #tpu.memory_space<hbm>>
      %dma_wait3A_314 = tpu.memref_slice %arg9[%rem3A_299] : memref<2x!tpu.dma_semaphore, #tpu.memory_space<semaphore_mem>> -> memref<1x!tpu.dma_semaphore, #tpu.memory_space<semaphore_mem>>
      %dma_wait3A_315 = tpu.memref_squeeze %dma_wait3A_314 : memref<1x!tpu.dma_semaphore, #tpu.memory_space<semaphore_mem>> -> memref<!tpu.dma_semaphore, #tpu.memory_space<semaphore_mem>>
      tpu.wait_indirect_dma semaphore(%dma_wait3A_315 : memref<!tpu.dma_semaphore, #tpu.memory_space<semaphore_mem>>) src(%dma_wait3A_313 : memref<7200x64xbf16, #tpu.memory_space<hbm>>) dst(%dma_wait3A_307 : memref<200x64xbf16, #tpu.memory_space<vmem>>)
      %dma_wait3A_316 = arith.constant 1 : i32
      %dma_wait3A_317 = arith.constant 0 : i32
      %dma_wait3A_318 = arith.constant 0 : i32
      %dma_wait3A_319 = tpu.memref_slice %arg6[%rem3A_299, %dma_wait3A_317, %dma_wait3A_318] : memref<2x200x64xbf16, #tpu.memory_space<vmem>> -> memref<1x200x64xbf16, #tpu.memory_space<vmem>>
      %dma_wait3A_320 = tpu.memref_squeeze %dma_wait3A_319 : memref<1x200x64xbf16, #tpu.memory_space<vmem>> -> memref<200x64xbf16, #tpu.memory_space<vmem>>
      %dma_wait3A_321 = arith.constant 0 : i32
      %dma_wait3A_322 = tpu.memref_slice %arg5[%rem3A_299, %dma_wait3A_316, %dma_wait3A_321] : memref<2x9x208xi32, #tpu.memory_space<vmem>> -> memref<1x1x200xi32, #tpu.memory_space<vmem>>
      %dma_wait3A_323 = tpu.memref_squeeze %dma_wait3A_322 : memref<1x1x200xi32, #tpu.memory_space<vmem>> -> memref<200xi32, #tpu.memory_space<vmem>>
      %dma_wait3A_324 = arith.constant 0 : i32
      %dma_wait3A_325 = arith.constant 0 : i32
      %dma_wait3A_326 = tpu.memref_slice %arg3[%dma_wait3A_324, %dma_wait3A_325] : memref<7200x64xbf16, #tpu.memory_space<hbm>> -> memref<7200x64xbf16, #tpu.memory_space<hbm>>
      %dma_wait3A_327 = tpu.memref_slice %arg9[%rem3A_299] : memref<2x!tpu.dma_semaphore, #tpu.memory_space<semaphore_mem>> -> memref<1x!tpu.dma_semaphore, #tpu.memory_space<semaphore_mem>>
      %dma_wait3A_328 = tpu.memref_squeeze %dma_wait3A_327 : memref<1x!tpu.dma_semaphore, #tpu.memory_space<semaphore_mem>> -> memref<!tpu.dma_semaphore, #tpu.memory_space<semaphore_mem>>
      tpu.wait_indirect_dma semaphore(%dma_wait3A_328 : memref<!tpu.dma_semaphore, #tpu.memory_space<semaphore_mem>>) src(%dma_wait3A_326 : memref<7200x64xbf16, #tpu.memory_space<hbm>>) dst(%dma_wait3A_320 : memref<200x64xbf16, #tpu.memory_space<vmem>>)
      %dma_wait3A_329 = arith.constant 2 : i32
      %dma_wait3A_330 = arith.constant 0 : i32
      %dma_wait3A_331 = arith.constant 0 : i32
      %dma_wait3A_332 = tpu.memref_slice %arg6[%rem3A_299, %dma_wait3A_330, %dma_wait3A_331] : memref<2x200x64xbf16, #tpu.memory_space<vmem>> -> memref<1x200x64xbf16, #tpu.memory_space<vmem>>
      %dma_wait3A_333 = tpu.memref_squeeze %dma_wait3A_332 : memref<1x200x64xbf16, #tpu.memory_space<vmem>> -> memref<200x64xbf16, #tpu.memory_space<vmem>>
      %dma_wait3A_334 = arith.constant 0 : i32
      %dma_wait3A_335 = tpu.memref_slice %arg5[%rem3A_299, %dma_wait3A_329, %dma_wait3A_334] : memref<2x9x208xi32, #tpu.memory_space<vmem>> -> memref<1x1x200xi32, #tpu.memory_space<vmem>>
      %dma_wait3A_336 = tpu.memref_squeeze %dma_wait3A_335 : memref<1x1x200xi32, #tpu.memory_space<vmem>> -> memref<200xi32, #tpu.memory_space<vmem>>
      %dma_wait3A_337 = arith.constant 0 : i32
      %dma_wait3A_338 = arith.constant 0 : i32
      %dma_wait3A_339 = tpu.memref_slice %arg3[%dma_wait3A_337, %dma_wait3A_338] : memref<7200x64xbf16, #tpu.memory_space<hbm>> -> memref<7200x64xbf16, #tpu.memory_space<hbm>>
      %dma_wait3A_340 = tpu.memref_slice %arg9[%rem3A_299] : memref<2x!tpu.dma_semaphore, #tpu.memory_space<semaphore_mem>> -> memref<1x!tpu.dma_semaphore, #tpu.memory_space<semaphore_mem>>
      %dma_wait3A_341 = tpu.memref_squeeze %dma_wait3A_340 : memref<1x!tpu.dma_semaphore, #tpu.memory_space<semaphore_mem>> -> memref<!tpu.dma_semaphore, #tpu.memory_space<semaphore_mem>>
      tpu.wait_indirect_dma semaphore(%dma_wait3A_341 : memref<!tpu.dma_semaphore, #tpu.memory_space<semaphore_mem>>) src(%dma_wait3A_339 : memref<7200x64xbf16, #tpu.memory_space<hbm>>) dst(%dma_wait3A_333 : memref<200x64xbf16, #tpu.memory_space<vmem>>)
      %dma_wait3A_342 = arith.constant 3 : i32
      %dma_wait3A_343 = arith.constant 0 : i32
      %dma_wait3A_344 = arith.constant 0 : i32
      %dma_wait3A_345 = tpu.memref_slice %arg6[%rem3A_299, %dma_wait3A_343, %dma_wait3A_344] : memref<2x200x64xbf16, #tpu.memory_space<vmem>> -> memref<1x200x64xbf16, #tpu.memory_space<vmem>>
      %dma_wait3A_346 = tpu.memref_squeeze %dma_wait3A_345 : memref<1x200x64xbf16, #tpu.memory_space<vmem>> -> memref<200x64xbf16, #tpu.memory_space<vmem>>
      %dma_wait3A_347 = arith.constant 0 : i32
      %dma_wait3A_348 = tpu.memref_slice %arg5[%rem3A_299, %dma_wait3A_342, %dma_wait3A_347] : memref<2x9x208xi32, #tpu.memory_space<vmem>> -> memref<1x1x200xi32, #tpu.memory_space<vmem>>
      %dma_wait3A_349 = tpu.memref_squeeze %dma_wait3A_348 : memref<1x1x200xi32, #tpu.memory_space<vmem>> -> memref<200xi32, #tpu.memory_space<vmem>>
      %dma_wait3A_350 = arith.constant 0 : i32
      %dma_wait3A_351 = arith.constant 0 : i32
      %dma_wait3A_352 = tpu.memref_slice %arg3[%dma_wait3A_350, %dma_wait3A_351] : memref<7200x64xbf16, #tpu.memory_space<hbm>> -> memref<7200x64xbf16, #tpu.memory_space<hbm>>
      %dma_wait3A_353 = tpu.memref_slice %arg9[%rem3A_299] : memref<2x!tpu.dma_semaphore, #tpu.memory_space<semaphore_mem>> -> memref<1x!tpu.dma_semaphore, #tpu.memory_space<semaphore_mem>>
      %dma_wait3A_354 = tpu.memref_squeeze %dma_wait3A_353 : memref<1x!tpu.dma_semaphore, #tpu.memory_space<semaphore_mem>> -> memref<!tpu.dma_semaphore, #tpu.memory_space<semaphore_mem>>
      tpu.wait_indirect_dma semaphore(%dma_wait3A_354 : memref<!tpu.dma_semaphore, #tpu.memory_space<semaphore_mem>>) src(%dma_wait3A_352 : memref<7200x64xbf16, #tpu.memory_space<hbm>>) dst(%dma_wait3A_346 : memref<200x64xbf16, #tpu.memory_space<vmem>>)
      %dma_wait3A_355 = arith.constant 4 : i32
      %dma_wait3A_356 = arith.constant 0 : i32
      %dma_wait3A_357 = arith.constant 0 : i32
      %dma_wait3A_358 = tpu.memref_slice %arg6[%rem3A_299, %dma_wait3A_356, %dma_wait3A_357] : memref<2x200x64xbf16, #tpu.memory_space<vmem>> -> memref<1x200x64xbf16, #tpu.memory_space<vmem>>
      %dma_wait3A_359 = tpu.memref_squeeze %dma_wait3A_358 : memref<1x200x64xbf16, #tpu.memory_space<vmem>> -> memref<200x64xbf16, #tpu.memory_space<vmem>>
      %dma_wait3A_360 = arith.constant 0 : i32
      %dma_wait3A_361 = tpu.memref_slice %arg5[%rem3A_299, %dma_wait3A_355, %dma_wait3A_360] : memref<2x9x208xi32, #tpu.memory_space<vmem>> -> memref<1x1x200xi32, #tpu.memory_space<vmem>>
      %dma_wait3A_362 = tpu.memref_squeeze %dma_wait3A_361 : memref<1x1x200xi32, #tpu.memory_space<vmem>> -> memref<200xi32, #tpu.memory_space<vmem>>
      %dma_wait3A_363 = arith.constant 0 : i32
      %dma_wait3A_364 = arith.constant 0 : i32
      %dma_wait3A_365 = tpu.memref_slice %arg3[%dma_wait3A_363, %dma_wait3A_364] : memref<7200x64xbf16, #tpu.memory_space<hbm>> -> memref<7200x64xbf16, #tpu.memory_space<hbm>>
      %dma_wait3A_366 = tpu.memref_slice %arg9[%rem3A_299] : memref<2x!tpu.dma_semaphore, #tpu.memory_space<semaphore_mem>> -> memref<1x!tpu.dma_semaphore, #tpu.memory_space<semaphore_mem>>
      %dma_wait3A_367 = tpu.memref_squeeze %dma_wait3A_366 : memref<1x!tpu.dma_semaphore, #tpu.memory_space<semaphore_mem>> -> memref<!tpu.dma_semaphore, #tpu.memory_space<semaphore_mem>>
      tpu.wait_indirect_dma semaphore(%dma_wait3A_367 : memref<!tpu.dma_semaphore, #tpu.memory_space<semaphore_mem>>) src(%dma_wait3A_365 : memref<7200x64xbf16, #tpu.memory_space<hbm>>) dst(%dma_wait3A_359 : memref<200x64xbf16, #tpu.memory_space<vmem>>)
      %dma_wait3A_368 = arith.constant 5 : i32
      %dma_wait3A_369 = arith.constant 0 : i32
      %dma_wait3A_370 = arith.constant 0 : i32
      %dma_wait3A_371 = tpu.memref_slice %arg6[%rem3A_299, %dma_wait3A_369, %dma_wait3A_370] : memref<2x200x64xbf16, #tpu.memory_space<vmem>> -> memref<1x200x64xbf16, #tpu.memory_space<vmem>>
      %dma_wait3A_372 = tpu.memref_squeeze %dma_wait3A_371 : memref<1x200x64xbf16, #tpu.memory_space<vmem>> -> memref<200x64xbf16, #tpu.memory_space<vmem>>
      %dma_wait3A_373 = arith.constant 0 : i32
      %dma_wait3A_374 = tpu.memref_slice %arg5[%rem3A_299, %dma_wait3A_368, %dma_wait3A_373] : memref<2x9x208xi32, #tpu.memory_space<vmem>> -> memref<1x1x200xi32, #tpu.memory_space<vmem>>
      %dma_wait3A_375 = tpu.memref_squeeze %dma_wait3A_374 : memref<1x1x200xi32, #tpu.memory_space<vmem>> -> memref<200xi32, #tpu.memory_space<vmem>>
      %dma_wait3A_376 = arith.constant 0 : i32
      %dma_wait3A_377 = arith.constant 0 : i32
      %dma_wait3A_378 = tpu.memref_slice %arg3[%dma_wait3A_376, %dma_wait3A_377] : memref<7200x64xbf16, #tpu.memory_space<hbm>> -> memref<7200x64xbf16, #tpu.memory_space<hbm>>
      %dma_wait3A_379 = tpu.memref_slice %arg9[%rem3A_299] : memref<2x!tpu.dma_semaphore, #tpu.memory_space<semaphore_mem>> -> memref<1x!tpu.dma_semaphore, #tpu.memory_space<semaphore_mem>>
      %dma_wait3A_380 = tpu.memref_squeeze %dma_wait3A_379 : memref<1x!tpu.dma_semaphore, #tpu.memory_space<semaphore_mem>> -> memref<!tpu.dma_semaphore, #tpu.memory_space<semaphore_mem>>
      tpu.wait_indirect_dma semaphore(%dma_wait3A_380 : memref<!tpu.dma_semaphore, #tpu.memory_space<semaphore_mem>>) src(%dma_wait3A_378 : memref<7200x64xbf16, #tpu.memory_space<hbm>>) dst(%dma_wait3A_372 : memref<200x64xbf16, #tpu.memory_space<vmem>>)
      %dma_wait3A_381 = arith.constant 6 : i32
      %dma_wait3A_382 = arith.constant 0 : i32
      %dma_wait3A_383 = arith.constant 0 : i32
      %dma_wait3A_384 = tpu.memref_slice %arg6[%rem3A_299, %dma_wait3A_382, %dma_wait3A_383] : memref<2x200x64xbf16, #tpu.memory_space<vmem>> -> memref<1x200x64xbf16, #tpu.memory_space<vmem>>
      %dma_wait3A_385 = tpu.memref_squeeze %dma_wait3A_384 : memref<1x200x64xbf16, #tpu.memory_space<vmem>> -> memref<200x64xbf16, #tpu.memory_space<vmem>>
      %dma_wait3A_386 = arith.constant 0 : i32
      %dma_wait3A_387 = tpu.memref_slice %arg5[%rem3A_299, %dma_wait3A_381, %dma_wait3A_386] : memref<2x9x208xi32, #tpu.memory_space<vmem>> -> memref<1x1x200xi32, #tpu.memory_space<vmem>>
      %dma_wait3A_388 = tpu.memref_squeeze %dma_wait3A_387 : memref<1x1x200xi32, #tpu.memory_space<vmem>> -> memref<200xi32, #tpu.memory_space<vmem>>
      %dma_wait3A_389 = arith.constant 0 : i32
      %dma_wait3A_390 = arith.constant 0 : i32
      %dma_wait3A_391 = tpu.memref_slice %arg3[%dma_wait3A_389, %dma_wait3A_390] : memref<7200x64xbf16, #tpu.memory_space<hbm>> -> memref<7200x64xbf16, #tpu.memory_space<hbm>>
      %dma_wait3A_392 = tpu.memref_slice %arg9[%rem3A_299] : memref<2x!tpu.dma_semaphore, #tpu.memory_space<semaphore_mem>> -> memref<1x!tpu.dma_semaphore, #tpu.memory_space<semaphore_mem>>
      %dma_wait3A_393 = tpu.memref_squeeze %dma_wait3A_392 : memref<1x!tpu.dma_semaphore, #tpu.memory_space<semaphore_mem>> -> memref<!tpu.dma_semaphore, #tpu.memory_space<semaphore_mem>>
      tpu.wait_indirect_dma semaphore(%dma_wait3A_393 : memref<!tpu.dma_semaphore, #tpu.memory_space<semaphore_mem>>) src(%dma_wait3A_391 : memref<7200x64xbf16, #tpu.memory_space<hbm>>) dst(%dma_wait3A_385 : memref<200x64xbf16, #tpu.memory_space<vmem>>)
      %dma_wait3A_394 = arith.constant 7 : i32
      %dma_wait3A_395 = arith.constant 0 : i32
      %dma_wait3A_396 = arith.constant 0 : i32
      %dma_wait3A_397 = tpu.memref_slice %arg6[%rem3A_299, %dma_wait3A_395, %dma_wait3A_396] : memref<2x200x64xbf16, #tpu.memory_space<vmem>> -> memref<1x200x64xbf16, #tpu.memory_space<vmem>>
      %dma_wait3A_398 = tpu.memref_squeeze %dma_wait3A_397 : memref<1x200x64xbf16, #tpu.memory_space<vmem>> -> memref<200x64xbf16, #tpu.memory_space<vmem>>
      %dma_wait3A_399 = arith.constant 0 : i32
      %dma_wait3A_400 = tpu.memref_slice %arg5[%rem3A_299, %dma_wait3A_394, %dma_wait3A_399] : memref<2x9x208xi32, #tpu.memory_space<vmem>> -> memref<1x1x200xi32, #tpu.memory_space<vmem>>
      %dma_wait3A_401 = tpu.memref_squeeze %dma_wait3A_400 : memref<1x1x200xi32, #tpu.memory_space<vmem>> -> memref<200xi32, #tpu.memory_space<vmem>>
      %dma_wait3A_402 = arith.constant 0 : i32
      %dma_wait3A_403 = arith.constant 0 : i32
      %dma_wait3A_404 = tpu.memref_slice %arg3[%dma_wait3A_402, %dma_wait3A_403] : memref<7200x64xbf16, #tpu.memory_space<hbm>> -> memref<7200x64xbf16, #tpu.memory_space<hbm>>
      %dma_wait3A_405 = tpu.memref_slice %arg9[%rem3A_299] : memref<2x!tpu.dma_semaphore, #tpu.memory_space<semaphore_mem>> -> memref<1x!tpu.dma_semaphore, #tpu.memory_space<semaphore_mem>>
      %dma_wait3A_406 = tpu.memref_squeeze %dma_wait3A_405 : memref<1x!tpu.dma_semaphore, #tpu.memory_space<semaphore_mem>> -> memref<!tpu.dma_semaphore, #tpu.memory_space<semaphore_mem>>
      tpu.wait_indirect_dma semaphore(%dma_wait3A_406 : memref<!tpu.dma_semaphore, #tpu.memory_space<semaphore_mem>>) src(%dma_wait3A_404 : memref<7200x64xbf16, #tpu.memory_space<hbm>>) dst(%dma_wait3A_398 : memref<200x64xbf16, #tpu.memory_space<vmem>>)
      %dma_wait3A_407 = arith.constant 8 : i32
      %dma_wait3A_408 = arith.constant 0 : i32
      %dma_wait3A_409 = arith.constant 0 : i32
      %dma_wait3A_410 = tpu.memref_slice %arg6[%rem3A_299, %dma_wait3A_408, %dma_wait3A_409] : memref<2x200x64xbf16, #tpu.memory_space<vmem>> -> memref<1x200x64xbf16, #tpu.memory_space<vmem>>
      %dma_wait3A_411 = tpu.memref_squeeze %dma_wait3A_410 : memref<1x200x64xbf16, #tpu.memory_space<vmem>> -> memref<200x64xbf16, #tpu.memory_space<vmem>>
      %dma_wait3A_412 = arith.constant 0 : i32
      %dma_wait3A_413 = tpu.memref_slice %arg5[%rem3A_299, %dma_wait3A_407, %dma_wait3A_412] : memref<2x9x208xi32, #tpu.memory_space<vmem>> -> memref<1x1x200xi32, #tpu.memory_space<vmem>>
      %dma_wait3A_414 = tpu.memref_squeeze %dma_wait3A_413 : memref<1x1x200xi32, #tpu.memory_space<vmem>> -> memref<200xi32, #tpu.memory_space<vmem>>
      %dma_wait3A_415 = arith.constant 0 : i32
      %dma_wait3A_416 = arith.constant 0 : i32
      %dma_wait3A_417 = tpu.memref_slice %arg3[%dma_wait3A_415, %dma_wait3A_416] : memref<7200x64xbf16, #tpu.memory_space<hbm>> -> memref<7200x64xbf16, #tpu.memory_space<hbm>>
      %dma_wait3A_418 = tpu.memref_slice %arg9[%rem3A_299] : memref<2x!tpu.dma_semaphore, #tpu.memory_space<semaphore_mem>> -> memref<1x!tpu.dma_semaphore, #tpu.memory_space<semaphore_mem>>
      %dma_wait3A_419 = tpu.memref_squeeze %dma_wait3A_418 : memref<1x!tpu.dma_semaphore, #tpu.memory_space<semaphore_mem>> -> memref<!tpu.dma_semaphore, #tpu.memory_space<semaphore_mem>>
      tpu.wait_indirect_dma semaphore(%dma_wait3A_419 : memref<!tpu.dma_semaphore, #tpu.memory_space<semaphore_mem>>) src(%dma_wait3A_417 : memref<7200x64xbf16, #tpu.memory_space<hbm>>) dst(%dma_wait3A_411 : memref<200x64xbf16, #tpu.memory_space<vmem>>)
      %lt3A_420 = arith.constant 123 : i32
      %lt3A_421 = arith.cmpi slt, %scan3A_296, %lt3A_420 : i32
      %convert_element_type3A_422 = arith.extui %lt3A_421 : i1 to i32
      %cond3A_423 = arith.constant 0 : i32
      %cond3A_424 = arith.cmpi ne, %convert_element_type3A_422, %cond3A_423 : i32
      scf.if %cond3A_424 {
        %add3A_456 = arith.constant 2 : i32
        %add3A_457 = arith.addi %scan3A_296, %add3A_456 : i32
        %mul3A_458 = arith.constant 25000 : i32
        %mul3A_459 = arith.muli %select_n3A_30, %mul3A_458 : i32
        %mul3A_460 = arith.constant 200 : i32
        %mul3A_461 = arith.muli %add3A_457, %mul3A_460 : i32
        %add3A_462 = arith.addi %mul3A_459, %mul3A_461 : i32
        %dma_start3A_463 = arith.constant 0 : i32
        %dma_start3A_464 = arith.constant 0 : i32
        %dma_start3A_465 = tpu.memref_slice %arg5[%rem3A_299, %dma_start3A_463, %dma_start3A_464] : memref<2x9x208xi32, #tpu.memory_space<vmem>> -> memref<1x9x200xi32, #tpu.memory_space<vmem>>
        %dma_start3A_466 = tpu.memref_squeeze %dma_start3A_465 : memref<1x9x200xi32, #tpu.memory_space<vmem>> -> memref<9x200xi32, #tpu.memory_space<vmem>>
        %dma_start3A_467 = arith.constant 0 : i32
        %dma_start3A_468 = tpu.memref_slice %arg2[%dma_start3A_467, %add3A_462] : memref<9x100000xi32, #tpu.memory_space<hbm>> -> memref<9x200xi32, #tpu.memory_space<hbm>>
        %dma_start3A_469 = tpu.memref_slice %arg8[%rem3A_299] : memref<2x!tpu.dma_semaphore, #tpu.memory_space<semaphore_mem>> -> memref<1x!tpu.dma_semaphore, #tpu.memory_space<semaphore_mem>>
        %dma_start3A_470 = tpu.memref_squeeze %dma_start3A_469 : memref<1x!tpu.dma_semaphore, #tpu.memory_space<semaphore_mem>> -> memref<!tpu.dma_semaphore, #tpu.memory_space<semaphore_mem>>
        %dma_start3A_471 = arith.constant 0 : i32
        %dma_start3A_472 = arith.constant 0 : i32
        %dma_start3A_473 = tpu.memref_slice %arg5[%rem3A_299, %dma_start3A_471, %dma_start3A_472] : memref<2x9x208xi32, #tpu.memory_space<vmem>> -> memref<1x9x200xi32, #tpu.memory_space<vmem>>
        %dma_start3A_474 = tpu.memref_squeeze %dma_start3A_473 : memref<1x9x200xi32, #tpu.memory_space<vmem>> -> memref<9x200xi32, #tpu.memory_space<vmem>>
        %dma_start3A_475 = arith.constant 0 : i32
        %dma_start3A_476 = tpu.memref_slice %arg2[%dma_start3A_475, %add3A_462] : memref<9x100000xi32, #tpu.memory_space<hbm>> -> memref<9x200xi32, #tpu.memory_space<hbm>>
        tpu.enqueue_dma source(%dma_start3A_476 : memref<9x200xi32, #tpu.memory_space<hbm>>) target(%dma_start3A_474 : memref<9x200xi32, #tpu.memory_space<vmem>>) target_semaphore(%dma_start3A_470 : memref<!tpu.dma_semaphore, #tpu.memory_space<semaphore_mem>>)
      } else {
      }
      %ge3A = arith.constant 2 : i32
      %ge3A_425 = arith.cmpi sge, %scan3A_296, %ge3A : i32
      %convert_element_type3A_426 = arith.extui %ge3A_425 : i1 to i32
      %cond3A_427 = arith.constant 0 : i32
      %cond3A_428 = arith.cmpi ne, %convert_element_type3A_426, %cond3A_427 : i32
      scf.if %cond3A_428 {
        %sub3A_456 = arith.constant 2 : i32
        %sub3A_457 = arith.subi %scan3A_296, %sub3A_456 : i32
        %mul3A_458 = arith.constant 25000 : i32
        %mul3A_459 = arith.muli %select_n3A_30, %mul3A_458 : i32
        %mul3A_460 = arith.constant 200 : i32
        %mul3A_461 = arith.muli %sub3A_457, %mul3A_460 : i32
        %add3A_462 = arith.addi %mul3A_459, %mul3A_461 : i32
        %mul3A_463 = arith.constant 64 : i32
        %mul3A_464 = arith.muli %select_n3A_9, %mul3A_463 : i32
        %dma_wait3A_465 = arith.constant 0 : i32
        %dma_wait3A_466 = arith.constant 0 : i32
        %dma_wait3A_467 = tpu.memref_slice %arg7[%rem3A_299, %dma_wait3A_465, %dma_wait3A_466] : memref<2x200x64xf32, #tpu.memory_space<vmem>> -> memref<1x200x64xf32, #tpu.memory_space<vmem>>
        %dma_wait3A_468 = tpu.memref_squeeze %dma_wait3A_467 : memref<1x200x64xf32, #tpu.memory_space<vmem>> -> memref<200x64xf32, #tpu.memory_space<vmem>>
        %dma_wait3A_469 = tpu.memref_slice %arg4[%add3A_462, %mul3A_464] : memref<100000x512xf32, #tpu.memory_space<hbm>> -> memref<200x64xf32, #tpu.memory_space<hbm>>
        %dma_wait3A_470 = tpu.memref_slice %arg10[%rem3A_299] : memref<2x!tpu.dma_semaphore, #tpu.memory_space<semaphore_mem>> -> memref<1x!tpu.dma_semaphore, #tpu.memory_space<semaphore_mem>>
        %dma_wait3A_471 = tpu.memref_squeeze %dma_wait3A_470 : memref<1x!tpu.dma_semaphore, #tpu.memory_space<semaphore_mem>> -> memref<!tpu.dma_semaphore, #tpu.memory_space<semaphore_mem>>
        %dma_wait3A_472 = tpu.memref_slice %arg4[%add3A_462, %mul3A_464] : memref<100000x512xf32, #tpu.memory_space<hbm>> -> memref<200x64xf32, #tpu.memory_space<hbm>>
        %dma_wait3A_473 = arith.constant 0 : i32
        %dma_wait3A_474 = arith.constant 0 : i32
        %dma_wait3A_475 = tpu.memref_slice %arg7[%rem3A_299, %dma_wait3A_473, %dma_wait3A_474] : memref<2x200x64xf32, #tpu.memory_space<vmem>> -> memref<1x200x64xf32, #tpu.memory_space<vmem>>
        %dma_wait3A_476 = tpu.memref_squeeze %dma_wait3A_475 : memref<1x200x64xf32, #tpu.memory_space<vmem>> -> memref<200x64xf32, #tpu.memory_space<vmem>>
        tpu.wait_dma2 semaphore(%dma_wait3A_471 : memref<!tpu.dma_semaphore, #tpu.memory_space<semaphore_mem>>) src(%dma_wait3A_476 : memref<200x64xf32, #tpu.memory_space<vmem>>) dst(%dma_wait3A_472 : memref<200x64xf32, #tpu.memory_space<hbm>>)
      } else {
      }
      %scan3A_429 = arith.constant 0 : i32
      %scan3A_430 = arith.constant 0 : i32
      %scan3A_431 = arith.constant 50 : i32
      %scan3A_432 = arith.addi %scan3A_430, %scan3A_431 : i32
      %scan3A_433 = arith.constant 1 : i32
      %scan3A_434 = scf.for %scan3A_456 = %scan3A_430 to %scan3A_432 step %scan3A_433 iter_args(%scan3A_457 = %scan3A_429) -> (i32)  : i32 {
        %mul3A_458 = arith.constant 4 : i32
        %mul3A_459 = arith.muli %scan3A_456, %mul3A_458 : i32
        %add3A_460 = arith.constant 0 : i32
        %add3A_461 = arith.addi %mul3A_459, %add3A_460 : i32
        %get3A = arith.index_cast %rem3A_299 : i32 to index
        %get3A_462 = arith.index_cast %add3A_461 : i32 to index
        %get3A_463 = arith.constant 0 : index
        %get3A_464 = tpu.vector_load %arg6[%get3A, %get3A_462, %get3A_463] {strides = array<i32>} : memref<2x200x64xbf16, #tpu.memory_space<vmem>>, vector<32xbf16>,
        %unpack3A = tpu.unpack_subelements %get3A_464, 0 {pack_format = #tpu.pack_format<interleaved>} : vector<32xbf16> -> vector<16xf32>
        %unpack3A_465 = tpu.unpack_subelements %get3A_464, 1 {pack_format = #tpu.pack_format<interleaved>} : vector<32xbf16> -> vector<16xf32>
        %swap3A = arith.index_cast %rem3A_299 : i32 to index
        %swap3A_466 = arith.index_cast %add3A_461 : i32 to index
        %swap3A_467 = arith.constant 0 : index
        %swap3A_468 = tpu.vector_load %arg7[%swap3A, %swap3A_466, %swap3A_467] {strides = array<i32>} : memref<2x200x64xf32, #tpu.memory_space<vmem>>, vector<16xf32>,
        tpu.vector_store %arg7[%swap3A, %swap3A_466, %swap3A_467], %unpack3A {strides = array<i32>} : memref<2x200x64xf32, #tpu.memory_space<vmem>>, vector<16xf32>,
        %swap3A_469 = arith.index_cast %rem3A_299 : i32 to index
        %swap3A_470 = arith.index_cast %add3A_461 : i32 to index
        %swap3A_471 = arith.constant 16 : index
        %swap3A_472 = tpu.vector_load %arg7[%swap3A_469, %swap3A_470, %swap3A_471] {strides = array<i32>} : memref<2x200x64xf32, #tpu.memory_space<vmem>>, vector<16xf32>,
        tpu.vector_store %arg7[%swap3A_469, %swap3A_470, %swap3A_471], %unpack3A_465 {strides = array<i32>} : memref<2x200x64xf32, #tpu.memory_space<vmem>>, vector<16xf32>,
        %swap3A_473 = arith.index_cast %rem3A_299 : i32 to index
        %swap3A_474 = arith.index_cast %add3A_461 : i32 to index
        %swap3A_475 = arith.constant 0 : index
        %swap3A_476 = tpu.vector_load %arg6[%swap3A_473, %swap3A_474, %swap3A_475] {strides = array<i32>} : memref<2x200x64xbf16, #tpu.memory_space<vmem>>, vector<32xbf16>,
        tpu.vector_store %arg6[%swap3A_473, %swap3A_474, %swap3A_475], %broadcast_in_dim3A_33 {strides = array<i32>} : memref<2x200x64xbf16, #tpu.memory_space<vmem>>, vector<32xbf16>,
        %get3A_477 = arith.index_cast %rem3A_299 : i32 to index
        %get3A_478 = arith.index_cast %add3A_461 : i32 to index
        %get3A_479 = arith.constant 32 : index
        %get3A_480 = tpu.vector_load %arg6[%get3A_477, %get3A_478, %get3A_479] {strides = array<i32>} : memref<2x200x64xbf16, #tpu.memory_space<vmem>>, vector<32xbf16>,
        %unpack3A_481 = tpu.unpack_subelements %get3A_480, 0 {pack_format = #tpu.pack_format<interleaved>} : vector<32xbf16> -> vector<16xf32>
        %unpack3A_482 = tpu.unpack_subelements %get3A_480, 1 {pack_format = #tpu.pack_format<interleaved>} : vector<32xbf16> -> vector<16xf32>
        %swap3A_483 = arith.index_cast %rem3A_299 : i32 to index
        %swap3A_484 = arith.index_cast %add3A_461 : i32 to index
        %swap3A_485 = arith.constant 32 : index
        %swap3A_486 = tpu.vector_load %arg7[%swap3A_483, %swap3A_484, %swap3A_485] {strides = array<i32>} : memref<2x200x64xf32, #tpu.memory_space<vmem>>, vector<16xf32>,
        tpu.vector_store %arg7[%swap3A_483, %swap3A_484, %swap3A_485], %unpack3A_481 {strides = array<i32>} : memref<2x200x64xf32, #tpu.memory_space<vmem>>, vector<16xf32>,
        %swap3A_487 = arith.index_cast %rem3A_299 : i32 to index
        %swap3A_488 = arith.index_cast %add3A_461 : i32 to index
        %swap3A_489 = arith.constant 48 : index
        %swap3A_490 = tpu.vector_load %arg7[%swap3A_487, %swap3A_488, %swap3A_489] {strides = array<i32>} : memref<2x200x64xf32, #tpu.memory_space<vmem>>, vector<16xf32>,
        tpu.vector_store %arg7[%swap3A_487, %swap3A_488, %swap3A_489], %unpack3A_482 {strides = array<i32>} : memref<2x200x64xf32, #tpu.memory_space<vmem>>, vector<16xf32>,
        %swap3A_491 = arith.index_cast %rem3A_299 : i32 to index
        %swap3A_492 = arith.index_cast %add3A_461 : i32 to index
        %swap3A_493 = arith.constant 32 : index
        %swap3A_494 = tpu.vector_load %arg6[%swap3A_491, %swap3A_492, %swap3A_493] {strides = array<i32>} : memref<2x200x64xbf16, #tpu.memory_space<vmem>>, vector<32xbf16>,
        tpu.vector_store %arg6[%swap3A_491, %swap3A_492, %swap3A_493], %broadcast_in_dim3A_33 {strides = array<i32>} : memref<2x200x64xbf16, #tpu.memory_space<vmem>>, vector<32xbf16>,
        %mul3A_495 = arith.constant 4 : i32
        %mul3A_496 = arith.muli %scan3A_456, %mul3A_495 : i32
        %add3A_497 = arith.constant 1 : i32
        %add3A_498 = arith.addi %mul3A_496, %add3A_497 : i32
        %get3A_499 = arith.index_cast %rem3A_299 : i32 to index
        %get3A_500 = arith.index_cast %add3A_498 : i32 to index
        %get3A_501 = arith.constant 0 : index
        %get3A_502 = tpu.vector_load %arg6[%get3A_499, %get3A_500, %get3A_501] {strides = array<i32>} : memref<2x200x64xbf16, #tpu.memory_space<vmem>>, vector<32xbf16>,
        %unpack3A_503 = tpu.unpack_subelements %get3A_502, 0 {pack_format = #tpu.pack_format<interleaved>} : vector<32xbf16> -> vector<16xf32>
        %unpack3A_504 = tpu.unpack_subelements %get3A_502, 1 {pack_format = #tpu.pack_format<interleaved>} : vector<32xbf16> -> vector<16xf32>
        %swap3A_505 = arith.index_cast %rem3A_299 : i32 to index
        %swap3A_506 = arith.index_cast %add3A_498 : i32 to index
        %swap3A_507 = arith.constant 0 : index
        %swap3A_508 = tpu.vector_load %arg7[%swap3A_505, %swap3A_506, %swap3A_507] {strides = array<i32>} : memref<2x200x64xf32, #tpu.memory_space<vmem>>, vector<16xf32>,
        tpu.vector_store %arg7[%swap3A_505, %swap3A_506, %swap3A_507], %unpack3A_503 {strides = array<i32>} : memref<2x200x64xf32, #tpu.memory_space<vmem>>, vector<16xf32>,
        %swap3A_509 = arith.index_cast %rem3A_299 : i32 to index
        %swap3A_510 = arith.index_cast %add3A_498 : i32 to index
        %swap3A_511 = arith.constant 16 : index
        %swap3A_512 = tpu.vector_load %arg7[%swap3A_509, %swap3A_510, %swap3A_511] {strides = array<i32>} : memref<2x200x64xf32, #tpu.memory_space<vmem>>, vector<16xf32>,
        tpu.vector_store %arg7[%swap3A_509, %swap3A_510, %swap3A_511], %unpack3A_504 {strides = array<i32>} : memref<2x200x64xf32, #tpu.memory_space<vmem>>, vector<16xf32>,
        %swap3A_513 = arith.index_cast %rem3A_299 : i32 to index
        %swap3A_514 = arith.index_cast %add3A_498 : i32 to index
        %swap3A_515 = arith.constant 0 : index
        %swap3A_516 = tpu.vector_load %arg6[%swap3A_513, %swap3A_514, %swap3A_515] {strides = array<i32>} : memref<2x200x64xbf16, #tpu.memory_space<vmem>>, vector<32xbf16>,
        tpu.vector_store %arg6[%swap3A_513, %swap3A_514, %swap3A_515], %broadcast_in_dim3A_33 {strides = array<i32>} : memref<2x200x64xbf16, #tpu.memory_space<vmem>>, vector<32xbf16>,
        %get3A_517 = arith.index_cast %rem3A_299 : i32 to index
        %get3A_518 = arith.index_cast %add3A_498 : i32 to index
        %get3A_519 = arith.constant 32 : index
        %get3A_520 = tpu.vector_load %arg6[%get3A_517, %get3A_518, %get3A_519] {strides = array<i32>} : memref<2x200x64xbf16, #tpu.memory_space<vmem>>, vector<32xbf16>,
        %unpack3A_521 = tpu.unpack_subelements %get3A_520, 0 {pack_format = #tpu.pack_format<interleaved>} : vector<32xbf16> -> vector<16xf32>
        %unpack3A_522 = tpu.unpack_subelements %get3A_520, 1 {pack_format = #tpu.pack_format<interleaved>} : vector<32xbf16> -> vector<16xf32>
        %swap3A_523 = arith.index_cast %rem3A_299 : i32 to index
        %swap3A_524 = arith.index_cast %add3A_498 : i32 to index
        %swap3A_525 = arith.constant 32 : index
        %swap3A_526 = tpu.vector_load %arg7[%swap3A_523, %swap3A_524, %swap3A_525] {strides = array<i32>} : memref<2x200x64xf32, #tpu.memory_space<vmem>>, vector<16xf32>,
        tpu.vector_store %arg7[%swap3A_523, %swap3A_524, %swap3A_525], %unpack3A_521 {strides = array<i32>} : memref<2x200x64xf32, #tpu.memory_space<vmem>>, vector<16xf32>,
        %swap3A_527 = arith.index_cast %rem3A_299 : i32 to index
        %swap3A_528 = arith.index_cast %add3A_498 : i32 to index
        %swap3A_529 = arith.constant 48 : index
        %swap3A_530 = tpu.vector_load %arg7[%swap3A_527, %swap3A_528, %swap3A_529] {strides = array<i32>} : memref<2x200x64xf32, #tpu.memory_space<vmem>>, vector<16xf32>,
        tpu.vector_store %arg7[%swap3A_527, %swap3A_528, %swap3A_529], %unpack3A_522 {strides = array<i32>} : memref<2x200x64xf32, #tpu.memory_space<vmem>>, vector<16xf32>,
        %swap3A_531 = arith.index_cast %rem3A_299 : i32 to index
        %swap3A_532 = arith.index_cast %add3A_498 : i32 to index
        %swap3A_533 = arith.constant 32 : index
        %swap3A_534 = tpu.vector_load %arg6[%swap3A_531, %swap3A_532, %swap3A_533] {strides = array<i32>} : memref<2x200x64xbf16, #tpu.memory_space<vmem>>, vector<32xbf16>,
        tpu.vector_store %arg6[%swap3A_531, %swap3A_532, %swap3A_533], %broadcast_in_dim3A_33 {strides = array<i32>} : memref<2x200x64xbf16, #tpu.memory_space<vmem>>, vector<32xbf16>,
        %mul3A_535 = arith.constant 4 : i32
        %mul3A_536 = arith.muli %scan3A_456, %mul3A_535 : i32
        %add3A_537 = arith.constant 2 : i32
        %add3A_538 = arith.addi %mul3A_536, %add3A_537 : i32
        %get3A_539 = arith.index_cast %rem3A_299 : i32 to index
        %get3A_540 = arith.index_cast %add3A_538 : i32 to index
        %get3A_541 = arith.constant 0 : index
        %get3A_542 = tpu.vector_load %arg6[%get3A_539, %get3A_540, %get3A_541] {strides = array<i32>} : memref<2x200x64xbf16, #tpu.memory_space<vmem>>, vector<32xbf16>,
        %unpack3A_543 = tpu.unpack_subelements %get3A_542, 0 {pack_format = #tpu.pack_format<interleaved>} : vector<32xbf16> -> vector<16xf32>
        %unpack3A_544 = tpu.unpack_subelements %get3A_542, 1 {pack_format = #tpu.pack_format<interleaved>} : vector<32xbf16> -> vector<16xf32>
        %swap3A_545 = arith.index_cast %rem3A_299 : i32 to index
        %swap3A_546 = arith.index_cast %add3A_538 : i32 to index
        %swap3A_547 = arith.constant 0 : index
        %swap3A_548 = tpu.vector_load %arg7[%swap3A_545, %swap3A_546, %swap3A_547] {strides = array<i32>} : memref<2x200x64xf32, #tpu.memory_space<vmem>>, vector<16xf32>,
        tpu.vector_store %arg7[%swap3A_545, %swap3A_546, %swap3A_547], %unpack3A_543 {strides = array<i32>} : memref<2x200x64xf32, #tpu.memory_space<vmem>>, vector<16xf32>,
        %swap3A_549 = arith.index_cast %rem3A_299 : i32 to index
        %swap3A_550 = arith.index_cast %add3A_538 : i32 to index
        %swap3A_551 = arith.constant 16 : index
        %swap3A_552 = tpu.vector_load %arg7[%swap3A_549, %swap3A_550, %swap3A_551] {strides = array<i32>} : memref<2x200x64xf32, #tpu.memory_space<vmem>>, vector<16xf32>,
        tpu.vector_store %arg7[%swap3A_549, %swap3A_550, %swap3A_551], %unpack3A_544 {strides = array<i32>} : memref<2x200x64xf32, #tpu.memory_space<vmem>>, vector<16xf32>,
        %swap3A_553 = arith.index_cast %rem3A_299 : i32 to index
        %swap3A_554 = arith.index_cast %add3A_538 : i32 to index
        %swap3A_555 = arith.constant 0 : index
        %swap3A_556 = tpu.vector_load %arg6[%swap3A_553, %swap3A_554, %swap3A_555] {strides = array<i32>} : memref<2x200x64xbf16, #tpu.memory_space<vmem>>, vector<32xbf16>,
        tpu.vector_store %arg6[%swap3A_553, %swap3A_554, %swap3A_555], %broadcast_in_dim3A_33 {strides = array<i32>} : memref<2x200x64xbf16, #tpu.memory_space<vmem>>, vector<32xbf16>,
        %get3A_557 = arith.index_cast %rem3A_299 : i32 to index
        %get3A_558 = arith.index_cast %add3A_538 : i32 to index
        %get3A_559 = arith.constant 32 : index
        %get3A_560 = tpu.vector_load %arg6[%get3A_557, %get3A_558, %get3A_559] {strides = array<i32>} : memref<2x200x64xbf16, #tpu.memory_space<vmem>>, vector<32xbf16>,
        %unpack3A_561 = tpu.unpack_subelements %get3A_560, 0 {pack_format = #tpu.pack_format<interleaved>} : vector<32xbf16> -> vector<16xf32>
        %unpack3A_562 = tpu.unpack_subelements %get3A_560, 1 {pack_format = #tpu.pack_format<interleaved>} : vector<32xbf16> -> vector<16xf32>
        %swap3A_563 = arith.index_cast %rem3A_299 : i32 to index
        %swap3A_564 = arith.index_cast %add3A_538 : i32 to index
        %swap3A_565 = arith.constant 32 : index
        %swap3A_566 = tpu.vector_load %arg7[%swap3A_563, %swap3A_564, %swap3A_565] {strides = array<i32>} : memref<2x200x64xf32, #tpu.memory_space<vmem>>, vector<16xf32>,
        tpu.vector_store %arg7[%swap3A_563, %swap3A_564, %swap3A_565], %unpack3A_561 {strides = array<i32>} : memref<2x200x64xf32, #tpu.memory_space<vmem>>, vector<16xf32>,
        %swap3A_567 = arith.index_cast %rem3A_299 : i32 to index
        %swap3A_568 = arith.index_cast %add3A_538 : i32 to index
        %swap3A_569 = arith.constant 48 : index
        %swap3A_570 = tpu.vector_load %arg7[%swap3A_567, %swap3A_568, %swap3A_569] {strides = array<i32>} : memref<2x200x64xf32, #tpu.memory_space<vmem>>, vector<16xf32>,
        tpu.vector_store %arg7[%swap3A_567, %swap3A_568, %swap3A_569], %unpack3A_562 {strides = array<i32>} : memref<2x200x64xf32, #tpu.memory_space<vmem>>, vector<16xf32>,
        %swap3A_571 = arith.index_cast %rem3A_299 : i32 to index
        %swap3A_572 = arith.index_cast %add3A_538 : i32 to index
        %swap3A_573 = arith.constant 32 : index
        %swap3A_574 = tpu.vector_load %arg6[%swap3A_571, %swap3A_572, %swap3A_573] {strides = array<i32>} : memref<2x200x64xbf16, #tpu.memory_space<vmem>>, vector<32xbf16>,
        tpu.vector_store %arg6[%swap3A_571, %swap3A_572, %swap3A_573], %broadcast_in_dim3A_33 {strides = array<i32>} : memref<2x200x64xbf16, #tpu.memory_space<vmem>>, vector<32xbf16>,
        %mul3A_575 = arith.constant 4 : i32
        %mul3A_576 = arith.muli %scan3A_456, %mul3A_575 : i32
        %add3A_577 = arith.constant 3 : i32
        %add3A_578 = arith.addi %mul3A_576, %add3A_577 : i32
        %get3A_579 = arith.index_cast %rem3A_299 : i32 to index
        %get3A_580 = arith.index_cast %add3A_578 : i32 to index
        %get3A_581 = arith.constant 0 : index
        %get3A_582 = tpu.vector_load %arg6[%get3A_579, %get3A_580, %get3A_581] {strides = array<i32>} : memref<2x200x64xbf16, #tpu.memory_space<vmem>>, vector<32xbf16>,
        %unpack3A_583 = tpu.unpack_subelements %get3A_582, 0 {pack_format = #tpu.pack_format<interleaved>} : vector<32xbf16> -> vector<16xf32>
        %unpack3A_584 = tpu.unpack_subelements %get3A_582, 1 {pack_format = #tpu.pack_format<interleaved>} : vector<32xbf16> -> vector<16xf32>
        %swap3A_585 = arith.index_cast %rem3A_299 : i32 to index
        %swap3A_586 = arith.index_cast %add3A_578 : i32 to index
        %swap3A_587 = arith.constant 0 : index
        %swap3A_588 = tpu.vector_load %arg7[%swap3A_585, %swap3A_586, %swap3A_587] {strides = array<i32>} : memref<2x200x64xf32, #tpu.memory_space<vmem>>, vector<16xf32>,
        tpu.vector_store %arg7[%swap3A_585, %swap3A_586, %swap3A_587], %unpack3A_583 {strides = array<i32>} : memref<2x200x64xf32, #tpu.memory_space<vmem>>, vector<16xf32>,
        %swap3A_589 = arith.index_cast %rem3A_299 : i32 to index
        %swap3A_590 = arith.index_cast %add3A_578 : i32 to index
        %swap3A_591 = arith.constant 16 : index
        %swap3A_592 = tpu.vector_load %arg7[%swap3A_589, %swap3A_590, %swap3A_591] {strides = array<i32>} : memref<2x200x64xf32, #tpu.memory_space<vmem>>, vector<16xf32>,
        tpu.vector_store %arg7[%swap3A_589, %swap3A_590, %swap3A_591], %unpack3A_584 {strides = array<i32>} : memref<2x200x64xf32, #tpu.memory_space<vmem>>, vector<16xf32>,
        %swap3A_593 = arith.index_cast %rem3A_299 : i32 to index
        %swap3A_594 = arith.index_cast %add3A_578 : i32 to index
        %swap3A_595 = arith.constant 0 : index
        %swap3A_596 = tpu.vector_load %arg6[%swap3A_593, %swap3A_594, %swap3A_595] {strides = array<i32>} : memref<2x200x64xbf16, #tpu.memory_space<vmem>>, vector<32xbf16>,
        tpu.vector_store %arg6[%swap3A_593, %swap3A_594, %swap3A_595], %broadcast_in_dim3A_33 {strides = array<i32>} : memref<2x200x64xbf16, #tpu.memory_space<vmem>>, vector<32xbf16>,
        %get3A_597 = arith.index_cast %rem3A_299 : i32 to index
        %get3A_598 = arith.index_cast %add3A_578 : i32 to index
        %get3A_599 = arith.constant 32 : index
        %get3A_600 = tpu.vector_load %arg6[%get3A_597, %get3A_598, %get3A_599] {strides = array<i32>} : memref<2x200x64xbf16, #tpu.memory_space<vmem>>, vector<32xbf16>,
        %unpack3A_601 = tpu.unpack_subelements %get3A_600, 0 {pack_format = #tpu.pack_format<interleaved>} : vector<32xbf16> -> vector<16xf32>
        %unpack3A_602 = tpu.unpack_subelements %get3A_600, 1 {pack_format = #tpu.pack_format<interleaved>} : vector<32xbf16> -> vector<16xf32>
        %swap3A_603 = arith.index_cast %rem3A_299 : i32 to index
        %swap3A_604 = arith.index_cast %add3A_578 : i32 to index
        %swap3A_605 = arith.constant 32 : index
        %swap3A_606 = tpu.vector_load %arg7[%swap3A_603, %swap3A_604, %swap3A_605] {strides = array<i32>} : memref<2x200x64xf32, #tpu.memory_space<vmem>>, vector<16xf32>,
        tpu.vector_store %arg7[%swap3A_603, %swap3A_604, %swap3A_605], %unpack3A_601 {strides = array<i32>} : memref<2x200x64xf32, #tpu.memory_space<vmem>>, vector<16xf32>,
        %swap3A_607 = arith.index_cast %rem3A_299 : i32 to index
        %swap3A_608 = arith.index_cast %add3A_578 : i32 to index
        %swap3A_609 = arith.constant 48 : index
        %swap3A_610 = tpu.vector_load %arg7[%swap3A_607, %swap3A_608, %swap3A_609] {strides = array<i32>} : memref<2x200x64xf32, #tpu.memory_space<vmem>>, vector<16xf32>,
        tpu.vector_store %arg7[%swap3A_607, %swap3A_608, %swap3A_609], %unpack3A_602 {strides = array<i32>} : memref<2x200x64xf32, #tpu.memory_space<vmem>>, vector<16xf32>,
        %swap3A_611 = arith.index_cast %rem3A_299 : i32 to index
        %swap3A_612 = arith.index_cast %add3A_578 : i32 to index
        %swap3A_613 = arith.constant 32 : index
        %swap3A_614 = tpu.vector_load %arg6[%swap3A_611, %swap3A_612, %swap3A_613] {strides = array<i32>} : memref<2x200x64xbf16, #tpu.memory_space<vmem>>, vector<32xbf16>,
        tpu.vector_store %arg6[%swap3A_611, %swap3A_612, %swap3A_613], %broadcast_in_dim3A_33 {strides = array<i32>} : memref<2x200x64xbf16, #tpu.memory_space<vmem>>, vector<32xbf16>,
        %scan3A_615 = arith.constant 0 : i32
        scf.yield %scan3A_615 : i32
      }
      %scan3A_435 = arith.constant 50 : i32
      %mul3A_436 = arith.constant 25000 : i32
      %mul3A_437 = arith.muli %select_n3A_30, %mul3A_436 : i32
      %mul3A_438 = arith.constant 200 : i32
      %mul3A_439 = arith.muli %scan3A_296, %mul3A_438 : i32
      %add3A_440 = arith.addi %mul3A_437, %mul3A_439 : i32
      %mul3A_441 = arith.constant 64 : i32
      %mul3A_442 = arith.muli %select_n3A_9, %mul3A_441 : i32
      %dma_start3A_443 = arith.constant 0 : i32
      %dma_start3A_444 = arith.constant 0 : i32
      %dma_start3A_445 = tpu.memref_slice %arg7[%rem3A_299, %dma_start3A_443, %dma_start3A_444] : memref<2x200x64xf32, #tpu.memory_space<vmem>> -> memref<1x200x64xf32, #tpu.memory_space<vmem>>
      %dma_start3A_446 = tpu.memref_squeeze %dma_start3A_445 : memref<1x200x64xf32, #tpu.memory_space<vmem>> -> memref<200x64xf32, #tpu.memory_space<vmem>>
      %dma_start3A_447 = tpu.memref_slice %arg4[%add3A_440, %mul3A_442] : memref<100000x512xf32, #tpu.memory_space<hbm>> -> memref<200x64xf32, #tpu.memory_space<hbm>>
      %dma_start3A_448 = tpu.memref_slice %arg10[%rem3A_299] : memref<2x!tpu.dma_semaphore, #tpu.memory_space<semaphore_mem>> -> memref<1x!tpu.dma_semaphore, #tpu.memory_space<semaphore_mem>>
      %dma_start3A_449 = tpu.memref_squeeze %dma_start3A_448 : memref<1x!tpu.dma_semaphore, #tpu.memory_space<semaphore_mem>> -> memref<!tpu.dma_semaphore, #tpu.memory_space<semaphore_mem>>
      %dma_start3A_450 = tpu.memref_slice %arg4[%add3A_440, %mul3A_442] : memref<100000x512xf32, #tpu.memory_space<hbm>> -> memref<200x64xf32, #tpu.memory_space<hbm>>
      %dma_start3A_451 = arith.constant 0 : i32
      %dma_start3A_452 = arith.constant 0 : i32
      %dma_start3A_453 = tpu.memref_slice %arg7[%rem3A_299, %dma_start3A_451, %dma_start3A_452] : memref<2x200x64xf32, #tpu.memory_space<vmem>> -> memref<1x200x64xf32, #tpu.memory_space<vmem>>
      %dma_start3A_454 = tpu.memref_squeeze %dma_start3A_453 : memref<1x200x64xf32, #tpu.memory_space<vmem>> -> memref<200x64xf32, #tpu.memory_space<vmem>>
      tpu.enqueue_dma source(%dma_start3A_454 : memref<200x64xf32, #tpu.memory_space<vmem>>) target(%dma_start3A_450 : memref<200x64xf32, #tpu.memory_space<hbm>>) target_semaphore(%dma_start3A_449 : memref<!tpu.dma_semaphore, #tpu.memory_space<semaphore_mem>>)
      %scan3A_455 = arith.constant 0 : i32
      scf.yield %scan3A_455 : i32
    }
    %scan3A_255 = arith.constant 125 : i32
    %mul3A_256 = arith.constant 25000 : i32
    %mul3A_257 = arith.muli %select_n3A_30, %mul3A_256 : i32
    %add3A_258 = arith.constant 24600 : i32
    %add3A_259 = arith.addi %mul3A_257, %add3A_258 : i32
    %mul3A_260 = arith.constant 64 : i32
    %mul3A_261 = arith.muli %select_n3A_9, %mul3A_260 : i32
    %dma_wait3A_262 = arith.constant 1 : i32
    %dma_wait3A_263 = arith.constant 1 : i32
    %dma_wait3A_264 = arith.constant 0 : i32
    %dma_wait3A_265 = arith.constant 0 : i32
    %dma_wait3A_266 = tpu.memref_slice %arg7[%dma_wait3A_262, %dma_wait3A_264, %dma_wait3A_265] : memref<2x200x64xf32, #tpu.memory_space<vmem>> -> memref<1x200x64xf32, #tpu.memory_space<vmem>>
    %dma_wait3A_267 = tpu.memref_squeeze %dma_wait3A_266 : memref<1x200x64xf32, #tpu.memory_space<vmem>> -> memref<200x64xf32, #tpu.memory_space<vmem>>
    %dma_wait3A_268 = tpu.memref_slice %arg4[%add3A_259, %mul3A_261] : memref<100000x512xf32, #tpu.memory_space<hbm>> -> memref<200x64xf32, #tpu.memory_space<hbm>>
    %dma_wait3A_269 = tpu.memref_slice %arg10[%dma_wait3A_263] : memref<2x!tpu.dma_semaphore, #tpu.memory_space<semaphore_mem>> -> memref<1x!tpu.dma_semaphore, #tpu.memory_space<semaphore_mem>>
    %dma_wait3A_270 = tpu.memref_squeeze %dma_wait3A_269 : memref<1x!tpu.dma_semaphore, #tpu.memory_space<semaphore_mem>> -> memref<!tpu.dma_semaphore, #tpu.memory_space<semaphore_mem>>
    %dma_wait3A_271 = tpu.memref_slice %arg4[%add3A_259, %mul3A_261] : memref<100000x512xf32, #tpu.memory_space<hbm>> -> memref<200x64xf32, #tpu.memory_space<hbm>>
    %dma_wait3A_272 = arith.constant 0 : i32
    %dma_wait3A_273 = arith.constant 0 : i32
    %dma_wait3A_274 = tpu.memref_slice %arg7[%dma_wait3A_262, %dma_wait3A_272, %dma_wait3A_273] : memref<2x200x64xf32, #tpu.memory_space<vmem>> -> memref<1x200x64xf32, #tpu.memory_space<vmem>>
    %dma_wait3A_275 = tpu.memref_squeeze %dma_wait3A_274 : memref<1x200x64xf32, #tpu.memory_space<vmem>> -> memref<200x64xf32, #tpu.memory_space<vmem>>
    tpu.wait_dma2 semaphore(%dma_wait3A_270 : memref<!tpu.dma_semaphore, #tpu.memory_space<semaphore_mem>>) src(%dma_wait3A_275 : memref<200x64xf32, #tpu.memory_space<vmem>>) dst(%dma_wait3A_271 : memref<200x64xf32, #tpu.memory_space<hbm>>)
    %mul3A_276 = arith.constant 25000 : i32
    %mul3A_277 = arith.muli %select_n3A_30, %mul3A_276 : i32
    %add3A_278 = arith.constant 24800 : i32
    %add3A_279 = arith.addi %mul3A_277, %add3A_278 : i32
    %mul3A_280 = arith.constant 64 : i32
    %mul3A_281 = arith.muli %select_n3A_9, %mul3A_280 : i32
    %dma_wait3A_282 = arith.constant 0 : i32
    %dma_wait3A_283 = arith.constant 0 : i32
    %dma_wait3A_284 = arith.constant 0 : i32
    %dma_wait3A_285 = arith.constant 0 : i32
    %dma_wait3A_286 = tpu.memref_slice %arg7[%dma_wait3A_282, %dma_wait3A_284, %dma_wait3A_285] : memref<2x200x64xf32, #tpu.memory_space<vmem>> -> memref<1x200x64xf32, #tpu.memory_space<vmem>>
    %dma_wait3A_287 = tpu.memref_squeeze %dma_wait3A_286 : memref<1x200x64xf32, #tpu.memory_space<vmem>> -> memref<200x64xf32, #tpu.memory_space<vmem>>
    %dma_wait3A_288 = tpu.memref_slice %arg4[%add3A_279, %mul3A_281] : memref<100000x512xf32, #tpu.memory_space<hbm>> -> memref<200x64xf32, #tpu.memory_space<hbm>>
    %dma_wait3A_289 = tpu.memref_slice %arg10[%dma_wait3A_283] : memref<2x!tpu.dma_semaphore, #tpu.memory_space<semaphore_mem>> -> memref<1x!tpu.dma_semaphore, #tpu.memory_space<semaphore_mem>>
    %dma_wait3A_290 = tpu.memref_squeeze %dma_wait3A_289 : memref<1x!tpu.dma_semaphore, #tpu.memory_space<semaphore_mem>> -> memref<!tpu.dma_semaphore, #tpu.memory_space<semaphore_mem>>
    %dma_wait3A_291 = tpu.memref_slice %arg4[%add3A_279, %mul3A_281] : memref<100000x512xf32, #tpu.memory_space<hbm>> -> memref<200x64xf32, #tpu.memory_space<hbm>>
    %dma_wait3A_292 = arith.constant 0 : i32
    %dma_wait3A_293 = arith.constant 0 : i32
    %dma_wait3A_294 = tpu.memref_slice %arg7[%dma_wait3A_282, %dma_wait3A_292, %dma_wait3A_293] : memref<2x200x64xf32, #tpu.memory_space<vmem>> -> memref<1x200x64xf32, #tpu.memory_space<vmem>>
    %dma_wait3A_295 = tpu.memref_squeeze %dma_wait3A_294 : memref<1x200x64xf32, #tpu.memory_space<vmem>> -> memref<200x64xf32, #tpu.memory_space<vmem>>
    tpu.wait_dma2 semaphore(%dma_wait3A_290 : memref<!tpu.dma_semaphore, #tpu.memory_space<semaphore_mem>>) src(%dma_wait3A_295 : memref<200x64xf32, #tpu.memory_space<vmem>>) dst(%dma_wait3A_291 : memref<200x64xf32, #tpu.memory_space<hbm>>)
    return
  }
}

</mosaic_0001>

<sc_bundles>
// kernel: kernel.3.cloned.1.call-start
scs
__scs_entry_jumppad:
0x0: {  	(pc) =	sbr.rel $0x88, $3  }
0x1: {  	(tag) =	ssettag $0x0;
	lr =	simm.s32 $0x1  }
0x2: {  	[smem:$0x3F9F] =	sst lr;
	_ =	strace $0xD0000000  }
0x3: {  	_ = 	snop  }
0x4: {  	_ = 	snop  }
0x5: {  	_ = 	snop  }
0x6: {  	_ = 	snop  }
0x7: {  	_ = 	snop  }
__scs_overlays_trampoline_lowered:
0x8: {  	[smem:$0x3FAE] =	sst s0  }
0x9: {  	[smem:$0x3FAF] =	sst s1  }
0xa: {  	[smem:$0x3FB0] =	sst s2  }
0xb: {  	[smem:$0x3FB1] =	sst s3  }
0xc: {  	[smem:$0x3FB2] =	sst s4  }
0xd: {  	[smem:$0x3FB3] =	sst s5  }
0xe: {  	[smem:$0x3FB4] =	sst s6  }
0xf: {  	[smem:$0x3FB5] =	sst s7  }
0x10: {  	[smem:$0x3FB6] =	sst s8  }
0x11: {  	[smem:$0x3FB7] =	sst s9;
	s0 =	simm.s32 @!p0 $0x0  }
0x12: {  	s1 =	sld [smem:$0x3F9D];
	s0 =	simm.s32 @p0 $0x1  }
0x13: {  	[smem:$0x3FB8] =	sst s0;
	s0 =	simm.s32 @!p1 $0x0  }
0x14: {  	s2 =	sld [smem:$0x3F9C];
	s0 =	simm.s32 @p1 $0x1  }
0x15: {  	[smem:$0x3FB9] =	sst s0;
	s0 =	simm.s32 @!p2 $0x0  }
0x16: {  	s3 =	sld [smem:$0x3FDB];
	s0 =	simm.s32 @p2 $0x1  }
0x17: {  	s4 =	simm.s32 $0x1BF5;
	[smem:$0x3FBB] =	sst s0  }
0x18: {  	s0 =	sld [smem:$0x3F9E];
	_ =	swait.ge [sflag:s4], $0x0  }
0x19: {  	s7 =	sld [smem:$0x3F9F]  }
0x1a: {  	s8 =	sadd.s32 $0xFFFFE003, lr  }
0x1b: {  	s9 =	sadd.s32 $0xFFFFFEF7, lr;
	s5 =	simm.s32 $0xFFFFFFFF;
	p2 =	slt.u32 s8, $0xFFFFF086  }
0x1c: {  	p1 =	slt.u32 s9, $0xF7A;
	s5 =	simm.s32 @!p2 $0x0  }
0x1d: {  	s5 =	simm.s32 @p1 $0x1;
	p0 =	seq.s32 s7, s2  }
0x1e: {  	s7 =	smul.u32 @!p0 $0xF7A, s2;
	p2 =	seq.s32 @!p0 s5, $0x0  }
0x1f: {  	s9 =	smul.u32 $0xF7A, s1;
	s8 =	simm.s32 @!p0 $0x1BF5;
	p2 =	por !p2, p0  }
0x20: {  	[sflag:s8] =	ssyncset.s32 @!p0 $0xFFFFF086;
	s6 =	sadd.s32 @!p0 s3, s7;
	s7 =	simm.s32 @!p0 $0x108  }
0x21: {  	s3 =	sadd.s32 s3, s9;
	s6 =	sadd.s32 @!p0 $0x88, s6;
	s7 =	simm.s32 @p2 $0x1082  }
0x22: {  	[simem:s7], [sflag:s8] =	dma.local @!p0 [hbm:s6], $0xF7A  }
0x23: {  	s9 =	sor.u32 $0xD0000000, s2;
	s6 =	simm.s32 $0x108;
	_ =	swait.ge @!p0 [sflag:s8], $0x0  }
0x24: {  	s3 =	sadd.s32 $0x88, s3;
	s6 =	simm.s32 @!p1 $0x1082;
	[sflag:s4] =	ssyncset.s32 $0xFFFFF086  }
0x25: {  	[simem:s6], [sflag:s4] =	dma.local [hbm:s3], $0xF7A  }
0x26: {  	[smem:$0x3F9F] =	sst s1;
	(tag) =	ssettag s2;
	_ =	strace s9  }
0x27: {  	s1 =	sld [smem:$0x3FAF]  }
0x28: {  	s2 =	sld [smem:$0x3FB0]  }
0x29: {  	s4 =	sld [smem:$0x3FB2]  }
0x2a: {  	p0 =	seq.s32 s5, $0x0;
	s5 =	sld [smem:$0x3FB3]  }
0x2b: {  	s6 =	sld [smem:$0x3FB4]  }
0x2c: {  	s7 =	sld [smem:$0x3FB5]  }
0x2d: {  	s3 =	simm.s32 $0x108;
	s8 =	sld [smem:$0x3FB6]  }
0x2e: {  	s3 =	simm.s32 @!p0 $0x1082;
	s9 =	sld [smem:$0x3FB7]  }
0x2f: {  	lr =	sadd.s32 s0, s3;
	s0 =	sld [smem:$0x3FAE]  }
0x30: {  	s3 =	sld [smem:$0x3FB1]  }
0x31: {  	[smem:$0x3FBA] =	sst s10  }
0x32: {  	s10 =	sld [smem:$0x3FB8];
	_ =	sdelay $0x3  }
0x33: {  	p0 =	seq.s32 s10, $0x1;
	s10 =	sld [smem:$0x3FBA];
	_ =	sdelay $0x3  }
0x34: {  	[smem:$0x3FBA] =	sst s10  }
0x35: {  	s10 =	sld [smem:$0x3FB9];
	_ =	sdelay $0x3  }
0x36: {  	p1 =	seq.s32 s10, $0x1;
	s10 =	sld [smem:$0x3FBA];
	_ =	sdelay $0x3  }
0x37: {  	[smem:$0x3FBA] =	sst s10  }
0x38: {  	s10 =	sld [smem:$0x3FBB]  }
0x39: {  	_ = 	snop;
	(pc) =	sbr.ind lr, $3  }
0x3a: {  	_ = 	snop  }
0x3b: {  	_ = 	snop  }
0x3c: {  	p2 =	seq.s32 s10, $0x1;
	s10 =	sld [smem:$0x3FBA]  }
0x3d: {  	_ =	shalt  }
0x3e: {  	_ =	shalt  }
0x3f: {  	_ =	shalt  }
0x40: {  	_ =	shalt  }
0x41: {  	_ =	shalt  }
0x42: {  	_ =	shalt  }
0x43: {  	_ =	shalt  }
0x44: {  	_ =	shalt  }
0x45: {  	_ =	shalt  }
0x46: {  	_ =	shalt  }
0x47: {  	_ =	shalt  }
0x48: {  	_ =	shalt  }
0x49: {  	_ =	shalt  }
0x4a: {  	_ =	shalt  }
0x4b: {  	_ =	shalt  }
0x4c: {  	_ =	shalt  }
0x4d: {  	_ =	shalt  }
0x4e: {  	_ =	shalt  }
0x4f: {  	_ =	shalt  }
0x50: {  	_ =	shalt  }
0x51: {  	_ =	shalt  }
0x52: {  	_ =	shalt  }
0x53: {  	_ =	shalt  }
0x54: {  	_ =	shalt  }
0x55: {  	_ =	shalt  }
0x56: {  	_ =	shalt  }
0x57: {  	_ =	shalt  }
0x58: {  	_ =	shalt  }
0x59: {  	_ =	shalt  }
0x5a: {  	_ =	shalt  }
0x5b: {  	_ =	shalt  }
0x5c: {  	_ =	shalt  }
0x5d: {  	_ =	shalt  }
0x5e: {  	_ =	shalt  }
0x5f: {  	_ =	shalt  }
0x60: {  	_ =	shalt  }
0x61: {  	_ =	shalt  }
0x62: {  	_ =	shalt  }
0x63: {  	_ =	shalt  }
0x64: {  	_ =	shalt  }
0x65: {  	_ =	shalt  }
0x66: {  	_ =	shalt  }
0x67: {  	_ =	shalt  }
0x68: {  	_ =	shalt  }
0x69: {  	_ =	shalt  }
0x6a: {  	_ =	shalt  }
0x6b: {  	_ =	shalt  }
0x6c: {  	_ =	shalt  }
0x6d: {  	_ =	shalt  }
0x6e: {  	_ =	shalt  }
0x6f: {  	_ =	shalt  }
0x70: {  	_ =	shalt  }
0x71: {  	_ =	shalt  }
0x72: {  	_ =	shalt  }
0x73: {  	_ =	shalt  }
0x74: {  	_ =	shalt  }
0x75: {  	_ =	shalt  }
0x76: {  	_ =	shalt  }
0x77: {  	_ =	shalt  }
0x78: {  	_ =	shalt  }
0x79: {  	_ =	shalt  }
0x7a: {  	_ =	shalt  }
0x7b: {  	_ =	shalt  }
0x7c: {  	_ =	shalt  }
0x7d: {  	_ =	shalt  }
0x7e: {  	_ =	shalt  }
0x7f: {  	_ =	shalt  }
0x80: {  	_ =	shalt  }
0x81: {  	_ =	shalt  }
0x82: {  	_ =	shalt  }
0x83: {  	_ =	shalt  }
0x84: {  	_ =	shalt  }
0x85: {  	_ =	shalt  }
0x86: {  	_ =	shalt  }
0x87: {  	_ =	shalt  }
.Lfunc_end0:
.L_simem_size_0:
called_computation_lowered:
.L_overlay_start_0:
0x88: {  	s2 =	sld [smem:$0x3FD9]  }
0x89: {  	s3 =	sld [smem:$0x3FFE];
	_ =	sdelay $0x1  }
0x8a: {  	s1 =	srdreg.scid  }
0x8b: {  	s0 =	sand.u32 $0x1, s1  }
0x8c: {  	s17 =	sshll.u32 s0, $0xA;
	s2 =	sadd.s32 s3, s2  }
0x8d: {  	s2 =	sadd.s32 s2, s17  }
0x8e: {  	[smem:$0x3FC6] =	sst s2  }
0x8f: {  	_ = 	snop  }
0x90: {  	s2 =	sld [smem:$0x3FD0];
	(tm) =	ssettm $0x1  }
0x91: {  	s18 =	sld [smem:$0x3FFB];
	_ =	sdelay $0x3  }
0x92: {  	_ =	strace s18  }
0x93: {  	s3 =	sld [smem:$0x3FFC];
	_ =	sdelay $0x3  }
0x94: {  	_ =	strace s3  }
0x95: {  	s3 =	sld [smem:$0x3FFD];
	_ =	sdelay $0x3  }
0x96: {  	_ =	strace s3  }
0x97: {  	_ =	strace $0x8FFFFFFF  }
0x98: {  	s19 =	sld [smem:$0x3FDB];
	_ =	sdelay $0x1  }
0x99: {  	s4 =	simm.s32 $_scs_section_size  }
0x9a: {  	s5 =	simm.s32 $_size__tile_overlayer_lowered;
	s6 =	simm.s32 $_tile_overlayer_lowered  }
0x9b: {  	s22 =	simm.s32 $0x1BFF;
	s21 =	sshll.u32 s6, $0x1;
	s3 =	sadd.s32 s4, s19  }
0x9c: {  	s7 =	simm.s32 $0x0;
	s20 =	sshll.u32 s5, $0x1;
	s5 =	sadd.s32 s21, s3  }
0x9d: {  	[timem:s7], [sflag:s22] =	dma.local [hbm:s5], s20  }
0x9e: {  	_ =	swait.ge [sflag:s22], s20  }
0x9f: {  	s4 =	ssub.s32 $0x0, s20;
	[sflag:s22] =	ssyncset.done $0x0  }
0xa0: {  	[sflag:s22] =	ssyncadd.s32 s4;
	_ =	sdelay $0x1  }
0xa1: {  	s23 =	simm.s32 $0x1B8B  }
0xa2: {  	_ =	swait.ge [sflag:s23], $0x1  }
0xa3: {  	[sflag:s23] =	ssyncset.done $0x0  }
0xa4: {  	s25 =	simm.s32 $0x1B8E;
	s24 =	sld [smem:$0x3FFE];
	[sflag:s23] =	ssyncadd.s32 $0xFFFFFFFF  }
0xa5: {  	s26 =	simm.s32 $execute0_lowered;
	[smem:$0x3FD2] =	sst s25  }
0xa6: {  	s5 =	sshll.u32 s26, $0x1;
	_ =	strace $0x80000046;
	[dreg:$0x1] =	wrdreg $0xFFFFFFFF  }
0xa7: {  	s28 =	simm.s32 $_size_execute0_lowered;
	s3 =	sadd.s32 s3, s5;
	[dreg:$0x0] =	wrdreg $0x0  }
0xa8: {  	s5 =	sshll.u32 s28, $0x1;
	[dreg:$0x2] =	wrdreg s3  }
0xa9: {  	[dreg:$0x3] =	wrdreg s5  }
0xaa: {  	[dreg:$0x4] =	wrdreg $0xC0  }
0xab: {  	_ =	task [dreg:s7], $0x5FFFF  }
0xac: {  	[dreg:$0x1] =	wrdreg $0xFFFFFFFF  }
0xad: {  	[dreg:$0x0] =	wrdreg $0x60  }
0xae: {  	[dreg:$0x2] =	wrdreg s2  }
0xaf: {  	[dreg:$0x3] =	wrdreg s24  }
0xb0: {  	[dreg:$0x4] =	wrdreg $0x9  }
0xb1: {  	_ =	task.clear_ibuf [dreg:s7], $0x5FFFF;
	_ =	strace $0x90000046  }
0xb2: {  	s29 =	simm.s32 $0x9;
	_ =	strace $0x80000048  }
0xb3: {  	_ =	swait.ge [sflag:s29], $0x1  }
0xb4: {  	[sflag:s29] =	ssyncadd.s32 $0xFFFFFFFF  }
0xb5: {  	_ =	strace $0x90000048  }
0xb6: {  	_ =	sfence  }
0xb7: {  	s30 =	sld [smem:$0x0];
	_ =	sdelay $0x2  }
0xb8: {  	s31 =	sshll.u32 s1, $0xD;
	s1 =	sshrl.u32 s1, $0x2  }
0xb9: {  	s3 =	sand.u32 $0x4000, s31;
	s1 =	sadd.s32 s1, s30  }
0xba: {  	s0 =	sor.u32 s3, s0;
	s1 =	sshll.u32 s1, $0x11  }
0xbb: {  	s0 =	sor.u32 s1, s0  }
0xbc: {  	s0 =	sadd.s32 $0x8F2B, s0  }
0xbd: {  	[sflag:s0] =	ssyncadd.remote.s32 $0x1  }
0xbe: {  	_ =	sfence.sel $0xFFFF  }
0xbf: {  	[dreg:$0x0] =	wrdreg $0xFFFFFFFF;
	(pc) =	sbr.abs _section_cstart, $3  }
0xc0: {  	[dreg:$0x1] =	wrdreg $0xFFFFFFFF  }
0xc1: {  	_ =	task.clear_ibuf [dreg:s7], $0x2FFFF;
	_ =	strace $0x9FFFFFFF  }
0xc2: {  	(tm) =	ssettm $0x7FFFFFFF  }
0xc3: {  	_ =	shalt  }
tec
execute0_lowered:
.L_overlay_start_1:
0x0: {  	(tag) =	ssettag $0x1  }
0x1: {  	s2 =	rddreg [dreg:$0x0]  }
0x2: {  	s0 =	rddreg [dreg:$0x1];
	s3 =	simm.s32 $0x0;
	s5 =	stileid.u32  }
0x3: {  	s1 =	srdreg.scid;
	s13 =	simm.s32 $0xD0;
	s14 =	simm.s32 $0x1A0  }
0x4: {  	s15 =	simm.s32 $0x270;
	s28 =	simm.s32 $0x1;
	s29 =	simm.s32 $0xC8  }
0x5: {  	s30 =	simm.s32 $0xEA0;
	s31 =	simm.s32 $0x40;
	s4 =	sshll.u32 s5, $0x1  }
0x6: {  	[smem:$0x7FF] =	sst s3;
	s1 =	sand.u32 $0x1, s1;
	s4 =	sand.u32 $0x6, s4  }
0x7: {  	s5 =	sshrl.u32 s5, $0x2;
	_ =	strace $0x80000047;
	s6 =	sor.u32 s1, s4  }
0x8: {  	s4 =	smul.u32 $0x61A8, s5;
	s5 =	sadd.s32 $0xC00, s0;
	s1 =	ssub.s32 $0x2, s1  }
0x9: {  	s7 =	sshll.u32 s6, $0x3;
	s16 =	sshrl.u32 s1, $0x1;
	s10 =	smul.u32 $0x384, s6  }
0xa: {  	s0 =	sadd.s32 s7, s0;
	s1 =	ssub.s32 s1, s16;
	s17 =	sshrl.u32 s4, $0x3  }
0xb: {  	s8 =	sadd.s32 $0xC8, s4;
	s6 =	sadd.s32 s2, s17;
	s18 =	smax.u32 s1, $0x1  }
0xc: {  	s16 =	simm.s32 $0x340;
	[dreg:$0x3] =	wrdreg s18;
	s19 =	sadd.s32 $0x30D4, s6  }
0xd: {  	s8 =	sshrl.u32 s8, $0x3;
	s20 =	sadd.s32 $0x61A8, s6;
	[dreg:$0x4] =	wrdreg s19  }
0xe: {  	s9 =	sadd.s32 $0x7E00, s0;
	s21 =	sadd.s32 $0x927C, s6;
	[dreg:$0x5] =	wrdreg s20  }
0xf: {  	s17 =	simm.s32 $0x410;
	s22 =	sadd.s32 $0xC350, s6;
	[dreg:$0x6] =	wrdreg s21  }
0x10: {  	s0 =	simm.s32 $0x200;
	s23 =	sadd.s32 $0xF424, s6;
	[dreg:$0x7] =	wrdreg s22  }
0x11: {  	s1 =	simm.s32 $0x6;
	s24 =	sadd.s32 $0x124F8, s6;
	[dreg:$0x8] =	wrdreg s23  }
0x12: {  	s7 =	sadd.s32 s2, s8;
	s25 =	sadd.s32 $0x155CC, s6;
	[dreg:$0x9] =	wrdreg s24  }
0x13: {  	s8 =	sadd.s32 $0x190, s4;
	s26 =	sadd.s32 $0x186A0, s6;
	[dreg:$0xa] =	wrdreg s25  }
0x14: {  	s18 =	simm.s32 $0x4E0;
	[dreg:$0xb] =	wrdreg s26;
	s21 =	simm.s32 $0x5B0  }
0x15: {  	v1 =	vimm.bf16 $0.0e+00;
	v0 =	vmov s10;
	s22 =	simm.s32 $0x680;
	s19 =	simm.s32 $0x5;
	s20 =	simm.s32 $0x0  }
.LBB2_1:
0x16: {  	s10 =	simm.s32 $0x40;
	s11 =	simm.s32 $0x300  }
.LBB2_2:
0x17: {  	p0 =	sne.s32 s11, $0x6300;
	[tilespmem:s10+$0x27D0] =	vst v1  }
0x18: {  	[tilespmem:s10+$0xE60] =	vst v1  }
0x19: {  	[tilespmem:s10+$0xE70] =	vst v1  }
0x1a: {  	[tilespmem:s10+$0x2760] =	vst v1  }
0x1b: {  	[tilespmem:s10+$0x2770] =	vst v1  }
0x1c: {  	[tilespmem:s10+$0xE80] =	vst v1  }
0x1d: {  	[tilespmem:s10+$0xE90] =	vst v1  }
0x1e: {  	[tilespmem:s10+$0x2780] =	vst v1  }
0x1f: {  	[tilespmem:s10+$0x2790] =	vst v1  }
0x20: {  	[tilespmem:s10+$0xEA0] =	vst v1  }
0x21: {  	[tilespmem:s10+$0xEB0] =	vst v1  }
.Ltmp0:
0x22: {  	[tilespmem:s10+$0x27A0] =	vst v1;
	(pc) =	sbr.rel @p0 .LBB2_2-.Ltmp0, $4  }
0x23: {  	[tilespmem:s10+$0x27B0] =	vst v1  }
0x24: {  	[tilespmem:s10+$0xEC0] =	vst v1  }
0x25: {  	[tilespmem:s10+$0xED0] =	vst v1  }
0x26: {  	[tilespmem:s10+$0x27C0] =	vst v1;
	s10 =	sshra.s32 s11, $0x2;
	s11 =	sadd.s32 $0x200, s11  }
0x27: {  	[tilespmem:s10+$0x27D0] =	vst v1  }
0x28: {  	[tilespmem:s10+$0xE60] =	vst v1  }
0x29: {  	[tilespmem:s10+$0xE70] =	vst v1  }
0x2a: {  	[tilespmem:s10+$0x2760] =	vst v1  }
0x2b: {  	[tilespmem:s10+$0x2770] =	vst v1  }
0x2c: {  	[tilespmem:s10+$0xE80] =	vst v1  }
0x2d: {  	[tilespmem:s10+$0xE90] =	vst v1  }
0x2e: {  	[tilespmem:s10+$0x2780] =	vst v1  }
0x2f: {  	[tilespmem:s10+$0x2790] =	vst v1  }
0x30: {  	[tilespmem:s10+$0xEA0] =	vst v1  }
0x31: {  	[tilespmem:s10+$0xEB0] =	vst v1  }
0x32: {  	[tilespmem:s10+$0x27A0] =	vst v1  }
0x33: {  	[tilespmem:s10+$0x27B0] =	vst v1  }
0x34: {  	[tilespmem:s10+$0xEC0] =	vst v1  }
0x35: {  	[tilespmem:s10+$0xED0] =	vst v1  }
0x36: {  	[tilespmem:s10+$0x27C0] =	vst v1  }
0x37: {  	[tilespmem:s3], [sflag:$0x1] =	stream.linear.gather [hbm4b:s6+s3], $0xC8, $0x38;
	[tilespmem:$0xA4A0] =	vst v63  }
0x38: {  	s25 =	rddreg [dreg:$0x4]  }
0x39: {  	[tilespmem:s13], [sflag:$0x1] =	stream.linear.gather [hbm4b:s25+s3], $0xC8, $0x38;
	[tilespmem:$0xA4A0] =	vst v63  }
0x3a: {  	s26 =	rddreg [dreg:$0x5]  }
0x3b: {  	[tilespmem:s14], [sflag:$0x1] =	stream.linear.gather [hbm4b:s26+s3], $0xC8, $0x38;
	[tilespmem:$0xA4A0] =	vst v63  }
0x3c: {  	s11 =	rddreg [dreg:$0x6]  }
0x3d: {  	[tilespmem:s15], [sflag:$0x1] =	stream.linear.gather [hbm4b:s11+s3], $0xC8, $0x38;
	[tilespmem:$0xA4A0] =	vst v63  }
0x3e: {  	s12 =	rddreg [dreg:$0x7]  }
0x3f: {  	[tilespmem:s16], [sflag:$0x1] =	stream.linear.gather [hbm4b:s12+s3], $0xC8, $0x38;
	[tilespmem:$0xA4A0] =	vst v63  }
0x40: {  	s23 =	rddreg [dreg:$0x8]  }
0x41: {  	[tilespmem:s17], [sflag:$0x1] =	stream.linear.gather [hbm4b:s23+s3], $0xC8, $0x38;
	[tilespmem:$0xA4A0] =	vst v63  }
0x42: {  	s24 =	rddreg [dreg:$0x9]  }
0x43: {  	[tilespmem:s18], [sflag:$0x1] =	stream.linear.gather [hbm4b:s24+s3], $0xC8, $0x38;
	[tilespmem:$0xA4A0] =	vst v63  }
0x44: {  	s25 =	rddreg [dreg:$0xa]  }
0x45: {  	[tilespmem:s21], [sflag:$0x1] =	stream.linear.gather [hbm4b:s25+s3], $0xC8, $0x38;
	[tilespmem:$0xA4A0] =	vst v63  }
0x46: {  	s26 =	rddreg [dreg:$0xb]  }
0x47: {  	[tilespmem:s22], [sflag:$0x1] =	stream.linear.gather [hbm4b:s26+s3], $0xC8, $0x38;
	[tilespmem:$0xA4A0] =	vst v63  }
0x48: {  	_ =	swait.ge [sflag:s28], $0x708  }
0x49: {  	[sflag:s28] =	ssyncset.done $0x0  }
0x4a: {  	s10 =	simm.s32 $0xFFFFFF30;
	[sflag:s28] =	ssyncadd.s32 $0xFFFFF8F8  }
0x4b: {  	v3 =	vld [tilespmem:s10+$0xD0]  }
0x4c: {  	v5 =	vld [tilespmem:s10+$0x1A0]  }
0x4d: {  	v6 =	vld [tilespmem:s10+$0x270]  }
0x4e: {  	v4 =	vld [tilespmem:s10+$0x340]  }
0x4f: {  	v2 =	vld [tilespmem:s10+$0x410]  }
0x50: {  	v7 =	vadd.s32 v0, v3;
	v3 =	vld [tilespmem:s10+$0x4E0]  }
0x51: {  	[tilespmem:s10+$0xD0] =	vst v7;
	v7 =	vadd.s32 v0, v5;
	v5 =	vld [tilespmem:s10+$0x5B0]  }
0x52: {  	s11 =	simm.s32 $0xFFFFFD00;
	[tilespmem:s10+$0x1A0] =	vst v7;
	v7 =	vadd.s32 v0, v6;
	v6 =	vld [tilespmem:s10+$0x680]  }
.LBB2_4:
0x53: {  	s12 =	sshra.s32 s11, $0x2;
	p0 =	sne.s32 s11, $0xFFFFFFC0;
	[tilespmem:s10+$0x270] =	vst v7;
	v4 =	vadd.s32 v0, v4;
	v7 =	vld [tilespmem:s10+$0x750]  }
0x54: {  	v8 =	vld [tilespmem:s12+$0xD0];
	[tilespmem:s10+$0x340] =	vst v4;
	v2 =	vadd.s32 v0, v2  }
0x55: {  	v9 =	vld [tilespmem:s12+$0x1A0];
	[tilespmem:s10+$0x410] =	vst v2;
	v2 =	vadd.s32 v0, v3  }
0x56: {  	v10 =	vld [tilespmem:s12+$0x270];
	[tilespmem:s10+$0x4E0] =	vst v2;
	v2 =	vadd.s32 v0, v5  }
.Ltmp1:
0x57: {  	v4 =	vld [tilespmem:s12+$0x340];
	[tilespmem:s10+$0x5B0] =	vst v2;
	v3 =	vadd.s32 v0, v6;
	(pc) =	sbr.rel @p0 .LBB2_4-.Ltmp1, $4  }
0x58: {  	v2 =	vld [tilespmem:s12+$0x410];
	[tilespmem:s10+$0x680] =	vst v3;
	v5 =	vadd.s32 v0, v7  }
0x59: {  	v6 =	vadd.s32 v0, v8;
	v3 =	vld [tilespmem:s12+$0x4E0];
	[tilespmem:s10+$0x750] =	vst v5;
	s10 =	smov.u32 s12  }
0x5a: {  	[tilespmem:s10+$0xD0] =	vst v6;
	v6 =	vadd.s32 v0, v9;
	v5 =	vld [tilespmem:s10+$0x5B0]  }
0x5b: {  	s11 =	sadd.s32 $0x40, s11;
	[tilespmem:s10+$0x1A0] =	vst v6;
	v7 =	vadd.s32 v0, v10;
	v6 =	vld [tilespmem:s10+$0x680]  }
0x5c: {  	[tilespmem:s10+$0x270] =	vst v7;
	v4 =	vadd.s32 v0, v4;
	v63 =	vld [tilespmem:s10+$0x750]  }
0x5d: {  	[tilespmem:s10+$0x340] =	vst v4;
	v2 =	vadd.s32 v0, v2  }
0x5e: {  	[tilespmem:s10+$0x410] =	vst v2;
	v2 =	vadd.s32 v0, v3  }
0x5f: {  	[tilespmem:s10+$0x4E0] =	vst v2;
	v2 =	vadd.s32 v0, v5  }
0x60: {  	[tilespmem:s10+$0x5B0] =	vst v2;
	v2 =	vadd.s32 v0, v6  }
0x61: {  	[tilespmem:s10+$0x680] =	vst v2;
	v2 =	vadd.s32 v0, v63  }
0x62: {  	[tilespmem:s10+$0x750] =	vst v2;
	s10 =	simm.s32 $0x0  }
0x63: {  	[tilespmem:s30], [sflag:$0x3] =	stream.indirect.gather.add.bf16 [hbm:s5], $0x20, s10, s29, $0xb8;
	[tilespmem:$0xA4A0] =	vst v63  }
0x64: {  	_ = 	snop  }
0x65: {  	[tilespmem:s30], [sflag:$0x3] =	stream.indirect.gather.add.bf16 [hbm:s5], $0x20, s13, s29, $0xb8;
	[tilespmem:$0xA4A0] =	vst v63  }
0x66: {  	_ = 	snop  }
0x67: {  	[tilespmem:s30], [sflag:$0x3] =	stream.indirect.gather.add.bf16 [hbm:s5], $0x20, s14, s29, $0xb8;
	[tilespmem:$0xA4A0] =	vst v63  }
0x68: {  	_ = 	snop  }
0x69: {  	[tilespmem:s30], [sflag:$0x3] =	stream.indirect.gather.add.bf16 [hbm:s5], $0x20, s15, s29, $0xb8;
	[tilespmem:$0xA4A0] =	vst v63  }
0x6a: {  	_ = 	snop  }
0x6b: {  	[tilespmem:s30], [sflag:$0x3] =	stream.indirect.gather.add.bf16 [hbm:s5], $0x20, s16, s29, $0xb8;
	[tilespmem:$0xA4A0] =	vst v63  }
0x6c: {  	_ = 	snop  }
0x6d: {  	[tilespmem:s30], [sflag:$0x3] =	stream.indirect.gather.add.bf16 [hbm:s5], $0x20, s17, s29, $0xb8;
	[tilespmem:$0xA4A0] =	vst v63  }
0x6e: {  	_ = 	snop  }
0x6f: {  	[tilespmem:s30], [sflag:$0x3] =	stream.indirect.gather.add.bf16 [hbm:s5], $0x20, s18, s29, $0xb8;
	[tilespmem:$0xA4A0] =	vst v63  }
0x70: {  	_ = 	snop  }
0x71: {  	[tilespmem:s30], [sflag:$0x3] =	stream.indirect.gather.add.bf16 [hbm:s5], $0x20, s21, s29, $0xb8;
	[tilespmem:$0xA4A0] =	vst v63  }
0x72: {  	_ = 	snop  }
0x73: {  	[tilespmem:s30], [sflag:$0x3] =	stream.indirect.gather.add.bf16 [hbm:s5], $0x20, s22, s29, $0xb8;
	[tilespmem:$0xA4A0] =	vst v63  }
0x74: {  	s11 =	simm.s32 $0x750  }
0x75: {  	[tilespmem:s11], [sflag:$0x2] =	stream.linear.gather [hbm4b:s7+s10], $0xC8, $0x38;
	[tilespmem:$0xA4A0] =	vst v63  }
0x76: {  	s24 =	sadd.s32 $0x30D4, s7;
	s12 =	simm.s32 $0x820  }
0x77: {  	[tilespmem:s12], [sflag:$0x2] =	stream.linear.gather [hbm4b:s24+s10], $0xC8, $0x38;
	[tilespmem:$0xA4A0] =	vst v63  }
0x78: {  	s25 =	sadd.s32 $0x61A8, s7;
	s26 =	simm.s32 $0x8F0  }
0x79: {  	[tilespmem:s26], [sflag:$0x2] =	stream.linear.gather [hbm4b:s25+s10], $0xC8, $0x38;
	[tilespmem:$0xA4A0] =	vst v63  }
0x7a: {  	s13 =	sadd.s32 $0x927C, s7;
	s14 =	simm.s32 $0x9C0  }
0x7b: {  	[tilespmem:s14], [sflag:$0x2] =	stream.linear.gather [hbm4b:s13+s10], $0xC8, $0x38;
	[tilespmem:$0xA4A0] =	vst v63  }
0x7c: {  	s15 =	sadd.s32 $0xC350, s7;
	s16 =	simm.s32 $0xA90  }
0x7d: {  	[tilespmem:s16], [sflag:$0x2] =	stream.linear.gather [hbm4b:s15+s10], $0xC8, $0x38;
	[tilespmem:$0xA4A0] =	vst v63  }
0x7e: {  	s17 =	sadd.s32 $0xF424, s7;
	s18 =	simm.s32 $0xB60  }
0x7f: {  	[tilespmem:s18], [sflag:$0x2] =	stream.linear.gather [hbm4b:s17+s10], $0xC8, $0x38;
	[tilespmem:$0xA4A0] =	vst v63  }
0x80: {  	s21 =	sadd.s32 $0x124F8, s7;
	s22 =	simm.s32 $0xC30  }
0x81: {  	[tilespmem:s22], [sflag:$0x2] =	stream.linear.gather [hbm4b:s21+s10], $0xC8, $0x38;
	[tilespmem:$0xA4A0] =	vst v63  }
0x82: {  	s23 =	sadd.s32 $0x155CC, s7;
	p0 =	por $0x1, $0x1;
	s24 =	simm.s32 $0xD00  }
0x83: {  	[tilespmem:s24], [sflag:$0x2] =	stream.linear.gather [hbm4b:s23+s10], $0xC8, $0x38;
	[tilespmem:$0xA4A0] =	vst v63  }
0x84: {  	p1 =	por $0x0, $0x0;
	s25 =	sadd.s32 $0x186A0, s7;
	s26 =	simm.s32 $0xDD0  }
0x85: {  	[tilespmem:s26], [sflag:$0x2] =	stream.linear.gather [hbm4b:s25+s10], $0xC8, $0x38;
	[tilespmem:$0xA4A0] =	vst v63  }
.LBB2_6:
0x86: {  	p2 =	seq.s32 s10, $0x7C  }
.Ltmp2:
0x87: {  	_ = 	snop;
	(pc) =	sbr.rel @p2 .LBB2_10-.Ltmp2, $2  }
0x88: {  	_ =	sdelay $0x2  }
0x89: {  	s21 =	sand.u32 $0x1, s10  }
0x8a: {  	s11 =	simm.s32 $0x1  }
0x8b: {  	s11 =	simm.s32 @!p0 $0x0  }
0x8c: {  	s11 =	smul.u32 $0x1D40, s11;
	_ =	sdelay $0x1  }
0x8d: {  	s11 =	sshrl.u32 s11, $0x2  }
0x8e: {  	s12 =	sadd.s32 $0x340, s11  }
0x8f: {  	s11 =	sxor.u32 $0x1, s21;
	v2 =	vmov s12  }
0x90: {  	s26 =	sadd.s32 $0x1, s11  }
0x91: {  	_ =	swait.ge [sflag:s26], $0x708  }
0x92: {  	[sflag:s26] =	ssyncset.done $0x0  }
0x93: {  	s12 =	simm.s32 $0xFFFFFF30;
	[sflag:s26] =	ssyncadd.s32 $0xFFFFF8F8  }
0x94: {  	v3 =	vld.idx.msk [tilespmem:v2+s12+$0xFFFFFD90 ss:$0x1], $0xffff  }
0x95: {  	v4 =	vld.idx.msk [tilespmem:v2+s12+$0xFFFFFE60 ss:$0x1], $0xffff;
	_ =	sdelay $0x3  }
0x96: {  	v3 =	vadd.s32 v0, v3  }
0x97: {  	[tilespmem:v2+s12+$0xFFFFFD90 ss:$0x1] =	vst.idx.msk $0xffff, v3;
	v3 =	vadd.s32 v0, v4  }
0x98: {  	[tilespmem:v2+s12+$0xFFFFFE60 ss:$0x1] =	vst.idx.msk $0xffff, v3  }
0x99: {  	v3 =	vld.idx.msk [tilespmem:v2+s12+$0xFFFFFF30 ss:$0x1], $0xffff  }
0x9a: {  	v4 =	vld.idx.msk [tilespmem:v2+s12+$0x0 ss:$0x1], $0xffff;
	_ =	sdelay $0x3  }
0x9b: {  	v3 =	vadd.s32 v0, v3  }
0x9c: {  	[tilespmem:v2+s12+$0xFFFFFF30 ss:$0x1] =	vst.idx.msk $0xffff, v3;
	v3 =	vadd.s32 v0, v4  }
0x9d: {  	[tilespmem:v2+s12+$0x0 ss:$0x1] =	vst.idx.msk $0xffff, v3  }
0x9e: {  	v3 =	vld.idx.msk [tilespmem:v2+s12+$0xD0 ss:$0x1], $0xffff  }
0x9f: {  	v4 =	vld.idx.msk [tilespmem:v2+s12+$0x1A0 ss:$0x1], $0xffff;
	_ =	sdelay $0x3  }
0xa0: {  	v3 =	vadd.s32 v0, v3  }
0xa1: {  	[tilespmem:v2+s12+$0xD0 ss:$0x1] =	vst.idx.msk $0xffff, v3;
	v3 =	vadd.s32 v0, v4  }
0xa2: {  	[tilespmem:v2+s12+$0x1A0 ss:$0x1] =	vst.idx.msk $0xffff, v3  }
0xa3: {  	v3 =	vld.idx.msk [tilespmem:v2+s12+$0x270 ss:$0x1], $0xffff;
	_ =	sdelay $0x4  }
0xa4: {  	v3 =	vadd.s32 v0, v3  }
0xa5: {  	[tilespmem:v2+s12+$0x270 ss:$0x1] =	vst.idx.msk $0xffff, v3  }
0xa6: {  	v3 =	vld.idx.msk [tilespmem:v2+s12+$0x340 ss:$0x1], $0xffff;
	_ =	sdelay $0x1  }
0xa7: {  	s13 =	smul.u32 $0x1D40, s11;
	_ =	sdelay $0x1  }
0xa8: {  	s13 =	sshrl.u32 s13, $0x2  }
0xa9: {  	s17 =	simm.s32 $0xFFFFFD00;
	s22 =	sadd.s32 $0xD0, s13;
	s23 =	sadd.s32 $0x1A0, s13;
	v3 =	vadd.s32 v0, v3  }
0xaa: {  	s24 =	sadd.s32 $0x270, s13;
	s14 =	sadd.s32 $0x340, s13;
	s25 =	sadd.s32 $0x410, s13;
	[tilespmem:v2+s12+$0x340 ss:$0x1] =	vst.idx.msk $0xffff, v3  }
0xab: {  	s15 =	sadd.s32 $0x4E0, s13;
	s26 =	sadd.s32 $0x5B0, s13;
	s16 =	sadd.s32 $0x680, s13;
	v3 =	vld.idx.msk [tilespmem:v2+s12+$0x410 ss:$0x1], $0xffff  }
.LBB2_8:
0xac: {  	_ =	sdelay $0x1  }
0xad: {  	p2 =	sne.s32 s17, $0xFFFFFFC0;
	s18 =	smov.u32 s17;
	s17 =	sadd.s32 $0x40, s17  }
0xae: {  	_ = 	snop  }
0xaf: {  	v3 =	vadd.s32 v0, v3  }
0xb0: {  	[tilespmem:v2+s12+$0x410 ss:$0x1] =	vst.idx.msk $0xffff, v3;
	s12 =	sshra.s32 s18, $0x2  }
0xb1: {  	v3 =	vld.idx.msk [tilespmem:v2+s12+$0xFFFFFD90 ss:$0x1], $0xffff  }
0xb2: {  	v4 =	vld.idx.msk [tilespmem:v2+s12+$0xFFFFFE60 ss:$0x1], $0xffff;
	_ =	sdelay $0x4  }
0xb3: {  	v3 =	vadd.s32 v0, v3  }
0xb4: {  	[tilespmem:v2+s12+$0xFFFFFD90 ss:$0x1] =	vst.idx.msk $0xffff, v3;
	v3 =	vadd.s32 v0, v4  }
0xb5: {  	[tilespmem:v2+s12+$0xFFFFFE60 ss:$0x1] =	vst.idx.msk $0xffff, v3  }
0xb6: {  	v3 =	vld.idx.msk [tilespmem:v2+s12+$0xFFFFFF30 ss:$0x1], $0xffff  }
0xb7: {  	v4 =	vld.idx.msk [tilespmem:v2+s12+$0x0 ss:$0x1], $0xffff;
	_ =	sdelay $0x4  }
0xb8: {  	v3 =	vadd.s32 v0, v3  }
0xb9: {  	[tilespmem:v2+s12+$0xFFFFFF30 ss:$0x1] =	vst.idx.msk $0xffff, v3;
	v3 =	vadd.s32 v0, v4  }
0xba: {  	[tilespmem:v2+s12+$0x0 ss:$0x1] =	vst.idx.msk $0xffff, v3  }
0xbb: {  	v3 =	vld.idx.msk [tilespmem:v2+s12+$0xD0 ss:$0x1], $0xffff  }
0xbc: {  	v4 =	vld.idx.msk [tilespmem:v2+s12+$0x1A0 ss:$0x1], $0xffff;
	_ =	sdelay $0x4  }
0xbd: {  	v3 =	vadd.s32 v0, v3  }
0xbe: {  	[tilespmem:v2+s12+$0xD0 ss:$0x1] =	vst.idx.msk $0xffff, v3;
	v3 =	vadd.s32 v0, v4  }
0xbf: {  	[tilespmem:v2+s12+$0x1A0 ss:$0x1] =	vst.idx.msk $0xffff, v3  }
0xc0: {  	v3 =	vld.idx.msk [tilespmem:v2+s12+$0x270 ss:$0x1], $0xffff;
	_ =	sdelay $0x5  }
0xc1: {  	v3 =	vadd.s32 v0, v3  }
0xc2: {  	[tilespmem:v2+s12+$0x270 ss:$0x1] =	vst.idx.msk $0xffff, v3  }
0xc3: {  	v3 =	vld.idx.msk [tilespmem:v2+s12+$0x340 ss:$0x1], $0xffff;
	_ =	sdelay $0x3  }
.Ltmp3:
0xc4: {  	(pc) =	sbr.rel @p2 .LBB2_8-.Ltmp3, $4  }
0xc5: {  	_ = 	snop  }
0xc6: {  	v3 =	vadd.s32 v0, v3  }
0xc7: {  	[tilespmem:v2+s12+$0x340 ss:$0x1] =	vst.idx.msk $0xffff, v3  }
0xc8: {  	v3 =	vld.idx.msk [tilespmem:v2+s12+$0x410 ss:$0x1], $0xffff  }
0xc9: {  	_ =	sdelay $0x1  }
0xca: {  	s17 =	smul.u32 $0x6400, s11;
	_ =	sdelay $0x1  }
0xcb: {  	s17 =	sshrl.u32 s17, $0x2;
	v3 =	vadd.s32 v0, v3  }
0xcc: {  	s18 =	sadd.s32 $0x3, s11;
	s17 =	sadd.s32 $0xEA0, s17;
	[tilespmem:v2+s12+$0x410 ss:$0x1] =	vst.idx.msk $0xffff, v3  }
0xcd: {  	[tilespmem:s17], [sflag:s18] =	stream.indirect.gather.add.bf16 [hbm:s5], $0x20, s13, s29, $0xb8;
	[tilespmem:$0xA4A0] =	vst v63  }
0xce: {  	_ = 	snop  }
0xcf: {  	[tilespmem:s17], [sflag:s18] =	stream.indirect.gather.add.bf16 [hbm:s5], $0x20, s22, s29, $0xb8;
	[tilespmem:$0xA4A0] =	vst v63  }
0xd0: {  	_ = 	snop  }
0xd1: {  	[tilespmem:s17], [sflag:s18] =	stream.indirect.gather.add.bf16 [hbm:s5], $0x20, s23, s29, $0xb8;
	[tilespmem:$0xA4A0] =	vst v63  }
0xd2: {  	_ = 	snop  }
0xd3: {  	[tilespmem:s17], [sflag:s18] =	stream.indirect.gather.add.bf16 [hbm:s5], $0x20, s24, s29, $0xb8;
	[tilespmem:$0xA4A0] =	vst v63  }
0xd4: {  	_ = 	snop  }
0xd5: {  	[tilespmem:s17], [sflag:s18] =	stream.indirect.gather.add.bf16 [hbm:s5], $0x20, s14, s29, $0xb8;
	[tilespmem:$0xA4A0] =	vst v63  }
0xd6: {  	_ = 	snop  }
0xd7: {  	[tilespmem:s17], [sflag:s18] =	stream.indirect.gather.add.bf16 [hbm:s5], $0x20, s25, s29, $0xb8;
	[tilespmem:$0xA4A0] =	vst v63  }
0xd8: {  	_ = 	snop  }
0xd9: {  	[tilespmem:s17], [sflag:s18] =	stream.indirect.gather.add.bf16 [hbm:s5], $0x20, s15, s29, $0xb8;
	[tilespmem:$0xA4A0] =	vst v63  }
0xda: {  	_ = 	snop  }
0xdb: {  	[tilespmem:s17], [sflag:s18] =	stream.indirect.gather.add.bf16 [hbm:s5], $0x20, s26, s29, $0xb8;
	[tilespmem:$0xA4A0] =	vst v63  }
0xdc: {  	_ = 	snop  }
0xdd: {  	[tilespmem:s17], [sflag:s18] =	stream.indirect.gather.add.bf16 [hbm:s5], $0x20, s16, s29, $0xb8;
	[tilespmem:$0xA4A0] =	vst v63  }
.LBB2_10:
0xde: {  	s11 =	sadd.s32 $0x3, s21  }
0xdf: {  	_ =	swait.ge [sflag:s11], $0x1900  }
0xe0: {  	[sflag:s11] =	ssyncset.done $0x0  }
0xe1: {  	[sflag:s11] =	ssyncadd.s32 $0xFFFFE700  }
0xe2: {  	_ =	swait.ge [sflag:s11], $0x1900  }
0xe3: {  	[sflag:s11] =	ssyncset.done $0x0  }
0xe4: {  	[sflag:s11] =	ssyncadd.s32 $0xFFFFE700  }
0xe5: {  	_ =	swait.ge [sflag:s11], $0x1900  }
0xe6: {  	[sflag:s11] =	ssyncset.done $0x0  }
0xe7: {  	[sflag:s11] =	ssyncadd.s32 $0xFFFFE700  }
0xe8: {  	_ =	swait.ge [sflag:s11], $0x1900  }
0xe9: {  	[sflag:s11] =	ssyncset.done $0x0  }
0xea: {  	[sflag:s11] =	ssyncadd.s32 $0xFFFFE700  }
0xeb: {  	_ =	swait.ge [sflag:s11], $0x1900  }
0xec: {  	[sflag:s11] =	ssyncset.done $0x0  }
0xed: {  	[sflag:s11] =	ssyncadd.s32 $0xFFFFE700  }
0xee: {  	_ =	swait.ge [sflag:s11], $0x1900  }
0xef: {  	[sflag:s11] =	ssyncset.done $0x0  }
0xf0: {  	[sflag:s11] =	ssyncadd.s32 $0xFFFFE700  }
0xf1: {  	_ =	swait.ge [sflag:s11], $0x1900  }
0xf2: {  	[sflag:s11] =	ssyncset.done $0x0  }
0xf3: {  	[sflag:s11] =	ssyncadd.s32 $0xFFFFE700  }
0xf4: {  	p2 =	sgt.u32 s10, $0x7A;
	_ =	swait.ge [sflag:s11], $0x1900  }
0xf5: {  	s12 =	smul.u32 @!p2 $0xC8, s10;
	[sflag:s11] =	ssyncset.done $0x0  }
0xf6: {  	s13 =	smul.u32 @!p2 $0x1D40, s21;
	[sflag:s11] =	ssyncadd.s32 $0xFFFFE700  }
0xf7: {  	s14 =	simm.s32 @!p2 $0x0;
	s12 =	sadd.s32 @!p2 s12, s8;
	_ =	swait.ge [sflag:s11], $0x1900  }
0xf8: {  	s13 =	sshrl.u32 @!p2 s13, $0x2;
	s12 =	sshrl.u32 @!p2 s12, $0x3;
	[sflag:s11] =	ssyncset.done $0x0  }
0xf9: {  	s12 =	sadd.s32 @!p2 s2, s12;
	[sflag:s11] =	ssyncadd.s32 $0xFFFFE700;
	s11 =	sadd.s32 @!p2 $0x1, s21  }
0xfa: {  	[tilespmem:s13], [sflag:s11] =	stream.linear.gather @!p2 [hbm4b:s12+s14], $0xC8, $0x38;
	[tilespmem:$0xA4A0] =	vst v63  }
0xfb: {  	s16 =	sadd.s32 @!p2 $0xD0, s13;
	s15 =	sadd.s32 @!p2 $0x30D4, s12  }
0xfc: {  	[tilespmem:s16], [sflag:s11] =	stream.linear.gather @!p2 [hbm4b:s15+s14], $0xC8, $0x38;
	[tilespmem:$0xA4A0] =	vst v63  }
0xfd: {  	s15 =	sadd.s32 @!p2 $0x61A8, s12;
	s16 =	sadd.s32 @!p2 $0x1A0, s13  }
0xfe: {  	[tilespmem:s16], [sflag:s11] =	stream.linear.gather @!p2 [hbm4b:s15+s14], $0xC8, $0x38;
	[tilespmem:$0xA4A0] =	vst v63  }
0xff: {  	s15 =	sadd.s32 @!p2 $0x927C, s12;
	s16 =	sadd.s32 @!p2 $0x270, s13  }
0x100: {  	[tilespmem:s16], [sflag:s11] =	stream.linear.gather @!p2 [hbm4b:s15+s14], $0xC8, $0x38;
	[tilespmem:$0xA4A0] =	vst v63  }
0x101: {  	s15 =	sadd.s32 @!p2 $0xC350, s12;
	s16 =	sadd.s32 @!p2 $0x340, s13  }
0x102: {  	[tilespmem:s16], [sflag:s11] =	stream.linear.gather @!p2 [hbm4b:s15+s14], $0xC8, $0x38;
	[tilespmem:$0xA4A0] =	vst v63  }
0x103: {  	s15 =	sadd.s32 @!p2 $0xF424, s12;
	s16 =	sadd.s32 @!p2 $0x410, s13  }
0x104: {  	[tilespmem:s16], [sflag:s11] =	stream.linear.gather @!p2 [hbm4b:s15+s14], $0xC8, $0x38;
	[tilespmem:$0xA4A0] =	vst v63  }
0x105: {  	s15 =	sadd.s32 @!p2 $0x124F8, s12;
	s16 =	sadd.s32 @!p2 $0x4E0, s13  }
0x106: {  	[tilespmem:s16], [sflag:s11] =	stream.linear.gather @!p2 [hbm4b:s15+s14], $0xC8, $0x38;
	[tilespmem:$0xA4A0] =	vst v63  }
0x107: {  	s15 =	sadd.s32 @!p2 $0x155CC, s12;
	s16 =	sadd.s32 @!p2 $0x5B0, s13  }
0x108: {  	[tilespmem:s16], [sflag:s11] =	stream.linear.gather @!p2 [hbm4b:s15+s14], $0xC8, $0x38;
	[tilespmem:$0xA4A0] =	vst v63  }
0x109: {  	s12 =	sadd.s32 @!p2 $0x186A0, s12;
	s13 =	sadd.s32 @!p2 $0x680, s13  }
0x10a: {  	[tilespmem:s13], [sflag:s11] =	stream.linear.gather @!p2 [hbm4b:s12+s14], $0xC8, $0x38;
	[tilespmem:$0xA4A0] =	vst v63  }
0x10b: {  	s12 =	simm.s32 $0x1  }
0x10c: {  	s12 =	simm.s32 @!p1 $0x0  }
0x10d: {  	s26 =	smul.u32 $0x6400, s12;
	_ =	sdelay $0x1  }
0x10e: {  	s13 =	sshrl.u32 s26, $0x2  }
0x10f: {  	s13 =	sadd.s32 $0xEE0, s13  }
0x110: {  	p3 =	slt.u32 @!p2 s10, $0x2;
	v2 =	vmov s13  }
0x111: {  	p2 =	por p2, !p3;
	s11 =	sadd.s32 $0x5, s21  }
0x112: {  	_ =	swait.ge @p2 [sflag:s11], $0x3200  }
0x113: {  	[sflag:s11] =	ssyncset.done @p2 $0x0  }
0x114: {  	s22 =	simm.s32 $0x0;
	[sflag:s11] =	ssyncadd.s32 @p2 $0xFFFFCE00  }
0x115: {  	v3 =	vld.idx.msk [tilespmem:v2+s22+$0xFFFFFFC0 ss:$0x1], $0xffff;
	_ =	sdelay $0x1  }
0x116: {  	s12 =	smul.u32 $0xC800, s12;
	_ =	sdelay $0x1  }
0x117: {  	s12 =	sshrl.u32 s12, $0x2  }
0x118: {  	s12 =	sor.u32 $0x4120, s12;
	v4 =	vunpack.i.l.bf16.f32 v3  }
0x119: {  	v3 =	vunpack.i.u.bf16.f32 v3;
	[tilespmem:s12+$0xFFFFFF80] =	vst v4  }
0x11a: {  	[tilespmem:s12+$0xFFFFFF90] =	vst v3  }
0x11b: {  	[tilespmem:v2+s22+$0xFFFFFFC0 ss:$0x1] =	vst.idx.msk $0xffff, v1  }
0x11c: {  	v3 =	vld.idx.msk [tilespmem:v2+s22+$0xFFFFFFD0 ss:$0x1], $0xffff;
	_ =	sdelay $0x4  }
0x11d: {  	v4 =	vunpack.i.l.bf16.f32 v3  }
0x11e: {  	v3 =	vunpack.i.u.bf16.f32 v3;
	[tilespmem:s12+$0xFFFFFFA0] =	vst v4  }
0x11f: {  	[tilespmem:s12+$0xFFFFFFB0] =	vst v3  }
0x120: {  	[tilespmem:v2+s22+$0xFFFFFFD0 ss:$0x1] =	vst.idx.msk $0xffff, v1  }
0x121: {  	v3 =	vld.idx.msk [tilespmem:v2+s22+$0xFFFFFFE0 ss:$0x1], $0xffff;
	_ =	sdelay $0x4  }
0x122: {  	v4 =	vunpack.i.l.bf16.f32 v3  }
0x123: {  	v3 =	vunpack.i.u.bf16.f32 v3;
	[tilespmem:s12+$0xFFFFFFC0] =	vst v4  }
0x124: {  	[tilespmem:s12+$0xFFFFFFD0] =	vst v3  }
0x125: {  	[tilespmem:v2+s22+$0xFFFFFFE0 ss:$0x1] =	vst.idx.msk $0xffff, v1  }
0x126: {  	v3 =	vld.idx.msk [tilespmem:v2+s22+$0xFFFFFFF0 ss:$0x1], $0xffff;
	_ =	sdelay $0x4  }
0x127: {  	v4 =	vunpack.i.l.bf16.f32 v3  }
0x128: {  	v3 =	vunpack.i.u.bf16.f32 v3;
	[tilespmem:s12+$0xFFFFFFE0] =	vst v4  }
0x129: {  	[tilespmem:s12+$0xFFFFFFF0] =	vst v3  }
0x12a: {  	[tilespmem:v2+s22+$0xFFFFFFF0 ss:$0x1] =	vst.idx.msk $0xffff, v1  }
0x12b: {  	v3 =	vld.idx.msk [tilespmem:v2+s22+$0x0 ss:$0x1], $0xffff;
	_ =	sdelay $0x4  }
0x12c: {  	v4 =	vunpack.i.l.bf16.f32 v3  }
0x12d: {  	v3 =	vunpack.i.u.bf16.f32 v3;
	[tilespmem:s12+$0x0] =	vst v4  }
0x12e: {  	[tilespmem:s12+$0x10] =	vst v3  }
0x12f: {  	[tilespmem:v2+s22+$0x0 ss:$0x1] =	vst.idx.msk $0xffff, v1  }
0x130: {  	v3 =	vld.idx.msk [tilespmem:v2+s22+$0x10 ss:$0x1], $0xffff;
	_ =	sdelay $0x4  }
0x131: {  	v4 =	vunpack.i.l.bf16.f32 v3  }
0x132: {  	v3 =	vunpack.i.u.bf16.f32 v3;
	[tilespmem:s12+$0x20] =	vst v4  }
0x133: {  	[tilespmem:s12+$0x30] =	vst v3  }
0x134: {  	[tilespmem:v2+s22+$0x10 ss:$0x1] =	vst.idx.msk $0xffff, v1  }
0x135: {  	v3 =	vld.idx.msk [tilespmem:v2+s22+$0x20 ss:$0x1], $0xffff;
	_ =	sdelay $0x4  }
0x136: {  	v4 =	vunpack.i.l.bf16.f32 v3  }
0x137: {  	v3 =	vunpack.i.u.bf16.f32 v3;
	[tilespmem:s12+$0x40] =	vst v4  }
0x138: {  	[tilespmem:s12+$0x50] =	vst v3  }
0x139: {  	[tilespmem:v2+s22+$0x20 ss:$0x1] =	vst.idx.msk $0xffff, v1  }
0x13a: {  	s13 =	simm.s32 $0x200;
	s23 =	smov.u32 s12;
	v3 =	vld.idx.msk [tilespmem:v2+s22+$0x30 ss:$0x1], $0xffff  }
.LBB2_11:
0x13b: {  	p2 =	sne.s32 s13, $0x6200  }
0x13c: {  	s12 =	sadd.s32 $0x100, s12;
	s14 =	smov.u32 s13;
	s13 =	sadd.s32 $0x200, s13  }
0x13d: {  	_ =	sdelay $0x3  }
0x13e: {  	v4 =	vunpack.i.u.bf16.f32 v3;
	v3 =	vunpack.i.l.bf16.f32 v3  }
0x13f: {  	[tilespmem:s23+$0x60] =	vst v3  }
0x140: {  	[tilespmem:s23+$0x70] =	vst v4;
	s23 =	smov.u32 s12  }
0x141: {  	[tilespmem:v2+s22+$0x30 ss:$0x1] =	vst.idx.msk $0xffff, v1;
	s22 =	sshra.s32 s14, $0x2  }
0x142: {  	v3 =	vld.idx.msk [tilespmem:v2+s22+$0xFFFFFFC0 ss:$0x1], $0xffff;
	_ =	sdelay $0x5  }
0x143: {  	v4 =	vunpack.i.u.bf16.f32 v3;
	v3 =	vunpack.i.l.bf16.f32 v3  }
0x144: {  	[tilespmem:s12+$0xFFFFFF80] =	vst v3  }
0x145: {  	[tilespmem:s12+$0xFFFFFF90] =	vst v4  }
0x146: {  	[tilespmem:v2+s22+$0xFFFFFFC0 ss:$0x1] =	vst.idx.msk $0xffff, v1  }
0x147: {  	v3 =	vld.idx.msk [tilespmem:v2+s22+$0xFFFFFFD0 ss:$0x1], $0xffff;
	_ =	sdelay $0x5  }
0x148: {  	v4 =	vunpack.i.u.bf16.f32 v3;
	v3 =	vunpack.i.l.bf16.f32 v3  }
0x149: {  	[tilespmem:s12+$0xFFFFFFA0] =	vst v3  }
0x14a: {  	[tilespmem:s12+$0xFFFFFFB0] =	vst v4  }
0x14b: {  	[tilespmem:v2+s22+$0xFFFFFFD0 ss:$0x1] =	vst.idx.msk $0xffff, v1  }
0x14c: {  	v3 =	vld.idx.msk [tilespmem:v2+s22+$0xFFFFFFE0 ss:$0x1], $0xffff;
	_ =	sdelay $0x5  }
0x14d: {  	v4 =	vunpack.i.u.bf16.f32 v3;
	v3 =	vunpack.i.l.bf16.f32 v3  }
0x14e: {  	[tilespmem:s12+$0xFFFFFFC0] =	vst v3  }
0x14f: {  	[tilespmem:s12+$0xFFFFFFD0] =	vst v4  }
0x150: {  	[tilespmem:v2+s22+$0xFFFFFFE0 ss:$0x1] =	vst.idx.msk $0xffff, v1  }
0x151: {  	v3 =	vld.idx.msk [tilespmem:v2+s22+$0xFFFFFFF0 ss:$0x1], $0xffff;
	_ =	sdelay $0x5  }
0x152: {  	v4 =	vunpack.i.u.bf16.f32 v3;
	v3 =	vunpack.i.l.bf16.f32 v3  }
0x153: {  	[tilespmem:s12+$0xFFFFFFE0] =	vst v3  }
0x154: {  	[tilespmem:s12+$0xFFFFFFF0] =	vst v4  }
0x155: {  	[tilespmem:v2+s22+$0xFFFFFFF0 ss:$0x1] =	vst.idx.msk $0xffff, v1  }
0x156: {  	v3 =	vld.idx.msk [tilespmem:v2+s22+$0x0 ss:$0x1], $0xffff;
	_ =	sdelay $0x5  }
0x157: {  	v4 =	vunpack.i.u.bf16.f32 v3;
	v3 =	vunpack.i.l.bf16.f32 v3  }
0x158: {  	[tilespmem:s12+$0x0] =	vst v3  }
0x159: {  	[tilespmem:s12+$0x10] =	vst v4  }
0x15a: {  	[tilespmem:v2+s22+$0x0 ss:$0x1] =	vst.idx.msk $0xffff, v1  }
0x15b: {  	v3 =	vld.idx.msk [tilespmem:v2+s22+$0x10 ss:$0x1], $0xffff;
	_ =	sdelay $0x5  }
0x15c: {  	v4 =	vunpack.i.u.bf16.f32 v3;
	v3 =	vunpack.i.l.bf16.f32 v3  }
0x15d: {  	[tilespmem:s12+$0x20] =	vst v3  }
0x15e: {  	[tilespmem:s12+$0x30] =	vst v4  }
0x15f: {  	[tilespmem:v2+s22+$0x10 ss:$0x1] =	vst.idx.msk $0xffff, v1  }
0x160: {  	v3 =	vld.idx.msk [tilespmem:v2+s22+$0x20 ss:$0x1], $0xffff;
	_ =	sdelay $0x5  }
.Ltmp4:
0x161: {  	v4 =	vunpack.i.u.bf16.f32 v3;
	v3 =	vunpack.i.l.bf16.f32 v3;
	(pc) =	sbr.rel @p2 .LBB2_11-.Ltmp4, $4  }
0x162: {  	[tilespmem:s12+$0x40] =	vst v3  }
0x163: {  	[tilespmem:s12+$0x50] =	vst v4  }
0x164: {  	[tilespmem:v2+s22+$0x20 ss:$0x1] =	vst.idx.msk $0xffff, v1  }
0x165: {  	v3 =	vld.idx.msk [tilespmem:v2+s22+$0x30 ss:$0x1], $0xffff  }
0x166: {  	_ =	sdelay $0x1  }
0x167: {  	s12 =	smul.u32 $0xC8, s10;
	s10 =	sadd.s32 $0x1, s10  }
0x168: {  	s13 =	smul.u32 $0xC800, s21;
	p2 =	sne.s32 s10, $0x7D  }
.Ltmp5:
0x169: {  	v4 =	vunpack.i.l.bf16.f32 v3;
	(pc) =	sbr.rel @p2 .LBB2_6-.Ltmp5, $4  }
0x16a: {  	s12 =	sadd.s32 s4, s12;
	v3 =	vunpack.i.u.bf16.f32 v3;
	[tilespmem:s23+$0x60] =	vst v4  }
0x16b: {  	p0 =	por !p0, !p0;
	s13 =	sshrl.u32 s13, $0x2;
	s12 =	sshll.u32 s12, $0x6;
	[tilespmem:s23+$0x70] =	vst v3  }
0x16c: {  	p1 =	por !p1, !p1;
	s13 =	sor.u32 $0x40A0, s13;
	s12 =	sadd.s32 s12, s9;
	[tilespmem:v2+s22+$0x30 ss:$0x1] =	vst.idx.msk $0xffff, v1  }
0x16d: {  	[hbm4b:s12+s31] =	stream.strided.scatter [tilespmem:s13], [sflag:s11], $0x3200, s0, s31, $0x38;
	[tilespmem:$0xA4A0] =	vst v63  }
0x16e: {  	_ =	swait.ge [sflag:s1], $0x3200  }
0x16f: {  	[sflag:s1] =	ssyncset.done $0x0  }
0x170: {  	[sflag:s1] =	ssyncadd.s32 $0xFFFFCE00  }
0x171: {  	_ =	swait.ge [sflag:s19], $0x3200  }
0x172: {  	s20 =	sadd.s32 $0x1, s20;
	s10 =	rddreg [dreg:$0x3]  }
0x173: {  	p0 =	sne.s32 s20, s10  }
.Ltmp6:
0x174: {  	_ = 	snop;
	(pc) =	sbr.rel @p0 .LBB2_1-.Ltmp6, $4  }
0x175: {  	s13 =	simm.s32 $0xD0  }
0x176: {  	s14 =	simm.s32 $0x1A0;
	s15 =	simm.s32 $0x270;
	s16 =	simm.s32 $0x340  }
0x177: {  	s17 =	simm.s32 $0x410;
	s18 =	simm.s32 $0x4E0;
	[sflag:s19] =	ssyncset.done $0x0  }
0x178: {  	s21 =	simm.s32 $0x5B0;
	s22 =	simm.s32 $0x680;
	[sflag:s19] =	ssyncadd.s32 $0xFFFFCE00  }
0x179: {  	_ =	sfence.sel $0x180000  }
0x17a: {  	[bflag:$0x0] =	sbarrier.arrive $0xFFFF  }
0x17b: {  	_ =	strace $0x90000047  }
0x17c: {  	s0 =	stileid.u32;
	[bflag:$0x2] =	sbarrier.arrive $0xFFFF  }
0x17d: {  	p0 =	sne.s32 s0, $0x0;
	s0 =	rddreg [dreg:$0x2]  }
0x17e: {  	s0 =	sadd.s32 @!p0 $0x100000, s0  }
0x17f: {  	[sflag:s0] =	ssyncadd.tile.s32 @!p0 $0x1;
	_ =	shalt  }
.Lfunc_end2:
_tile_overlayer_lowered:
.L_overlay_start_2:
0x180: {  	(tag) =	ssettag $0x2  }
0x181: {  	s0 =	rddreg [dreg:$0x0];
	s2 =	stileid.u32  }
0x182: {  	s1 =	rddreg [dreg:$0x1];
	p0 =	sne.s32 s2, $0x0  }
0x183: {  	s3 =	rddreg [dreg:$0x2];
	[bflag:$0x3] =	sbarrier.arrive $0xFFFF;
	s2 =	simm.s32 @!p0 $0x1C07  }
0x184: {  	[timem:s3], [sflag:s2] =	dma.local @!p0 [hbm:s0], s1  }
0x185: {  	s0 =	simm.s32 @!p0 $0x7  }
0x186: {  	_ =	swait.ge @!p0 [sflag:s0], s1  }
0x187: {  	s1 =	ssub.s32 @!p0 $0x0, s1;
	[sflag:s0] =	ssyncset.done @!p0 $0x0  }
0x188: {  	[sflag:s0] =	ssyncadd.s32 @!p0 s1  }
0x189: {  	[bflag:$0x3] =	sbarrier.arrive $0xFFFF  }
0x18a: {  	_ =	shalt  }

</sc_bundles>
